<compile_context>
chip_gen: v7x
topology: tpu7x:2x2x1
jax: 0.10.2.dev20260603
libtpu: 0.0.44.dev20260713+nightly
codegen_flags: <defaults>
</compile_context>

<pallas_src>
import jax
import jax.numpy as jnp
from jax import lax
from jax.experimental import pallas as pl
from jax.experimental.pallas import tpu as pltpu
from jax.experimental.pallas import tpu_sc as plsc

HIDDEN = 768
B = 128
L = 512
LP = 64
_SPLITS = (40, 88)

_CHUNK = 64
_NW = 32


def _gather_loop(wid, table_hbm, idx_hbm, out_hbm, idx_a, idx_b, rows_a,
                 rows_b, sem_a, sem_b, rows_per_worker):
    base = wid * rows_per_worker

    def pair(cc, carry):
        c0 = base + (2 * cc) * _CHUNK
        c1 = c0 + _CHUNK
        pltpu.sync_copy(idx_hbm.at[pl.ds(c0, _CHUNK)], idx_a)
        cp_a = pltpu.async_copy(table_hbm.at[idx_a], rows_a, sem_a)
        pltpu.sync_copy(idx_hbm.at[pl.ds(c1, _CHUNK)], idx_b)
        cp_b = pltpu.async_copy(table_hbm.at[idx_b], rows_b, sem_b)
        cp_a.wait()
        pltpu.sync_copy(rows_a, out_hbm.at[pl.ds(c0, _CHUNK)])
        cp_b.wait()
        pltpu.sync_copy(rows_b, out_hbm.at[pl.ds(c1, _CHUNK)])
        return carry

    lax.fori_loop(0, rows_per_worker // (2 * _CHUNK), pair, 0)


def _wid():
    return lax.axis_index("s") * 2 + lax.axis_index("c")


def _sc_gather_p_body(table_hbm, idxp_hbm, outp_hbm,
                      idx_a, idx_b, rows_a, rows_b, sem_a, sem_b):
    _gather_loop(_wid(), table_hbm, idxp_hbm, outp_hbm, idx_a, idx_b,
                 rows_a, rows_b, sem_a, sem_b, (B * LP) // _NW)


def _make_q_body(nrows_per_worker):
    def body(table_hbm, idxq_hbm, outq_hbm,
             idx_a, idx_b, rows_a, rows_b, sem_a, sem_b):
        _gather_loop(_wid(), table_hbm, idxq_hbm, outq_hbm, idx_a, idx_b,
                     rows_a, rows_b, sem_a, sem_b, nrows_per_worker)
    return body


_SC_SCRATCH = [
    pltpu.VMEM((_CHUNK,), jnp.int32),
    pltpu.VMEM((_CHUNK,), jnp.int32),
    pltpu.VMEM((_CHUNK, HIDDEN), jnp.float32),
    pltpu.VMEM((_CHUNK, HIDDEN), jnp.float32),
    pltpu.SemaphoreType.DMA,
    pltpu.SemaphoreType.DMA,
]
def _mesh():
    return plsc.VectorSubcoreMesh(core_axis_name="c", subcore_axis_name="s")


def _sc_gather_p(table, idx_p):
    f = pl.kernel(
        _sc_gather_p_body,
        mesh=_mesh(),
        out_type=jax.ShapeDtypeStruct((B * LP, HIDDEN), jnp.float32),
        scratch_types=_SC_SCRATCH,
    )
    return f(table, idx_p)


def _sc_gather_q(table, idx_q):
    n = idx_q.shape[0]
    f = pl.kernel(
        _make_q_body(n // _NW),
        mesh=_mesh(),
        out_type=jax.ShapeDtypeStruct((n, HIDDEN), jnp.float32),
        scratch_types=_SC_SCRATCH,
    )
    return f(table, idx_q)


def _point_body(rows_ref, seg_ref, pos_ref, t0_ref, dt_ref, out_ref):
    x = rows_ref[0]
    seg = seg_ref[0, 0][:, None]
    x = x + pos_ref[...] + t0_ref[0] + seg * dt_ref[0]
    m = jnp.mean(x, axis=-1, keepdims=True)
    v = jnp.mean((x - m) ** 2, axis=-1, keepdims=True)
    xh = (x - m) * lax.rsqrt(v + 1e-12)
    tpm = jnp.mean(xh, axis=0, keepdims=True)
    out_ref[0] = tpm - jnp.mean(tpm, axis=-1, keepdims=True)


def _main_body(rows_ref, tid_ref, pos_ref, t0_ref, dt_ref, tpm_ref, ve_ref,
               out_ref):
    x = rows_ref[0]
    tid = tid_ref[0, 0][:, None]
    x = x + pos_ref[...] + t0_ref[0] + tid * dt_ref[0]
    m = jnp.mean(x, axis=-1, keepdims=True)
    v = jnp.mean(x * x, axis=-1, keepdims=True) - m * m
    xh = (x - m) * lax.rsqrt(v + 1e-12)
    z = xh + tpm_ref[0]
    v2 = jnp.mean(z * z, axis=-1, keepdims=True)
    yh = z * lax.rsqrt(v2 + 1e-5)
    li = lax.broadcasted_iota(jnp.int32, (L, HIDDEN), 0)
    out_ref[0] = jnp.where(li == 1, ve_ref[0], yh)


def _main_body_alias(rows_ref, tid_ref, pos_ref, t0_ref, dt_ref, tpm_ref,
                     ve_ref, prev_ref, out_ref):
    del prev_ref
    _main_body(rows_ref, tid_ref, pos_ref, t0_ref, dt_ref, tpm_ref, ve_ref,
               out_ref)


_ROW_SPEC = pl.BlockSpec((1, 1, HIDDEN), lambda b: (0, 0, 0))


def _half_specs(b_off):
    return [
        pl.BlockSpec((1, L, HIDDEN), lambda b: (b, 0, 0)),
        pl.BlockSpec((1, 1, L), lambda b: (b + b_off, 0, 0)),
        pl.BlockSpec((L, HIDDEN), lambda b: (0, 0)),
        _ROW_SPEC,
        _ROW_SPEC,
        pl.BlockSpec((1, 1, HIDDEN), lambda b: (b + b_off, 0, 0)),
        pl.BlockSpec((1, 1, HIDDEN), lambda b: (b + b_off, 0, 0)),
    ]


def kernel(input_ids, token_type_ids, point_token, point_segment_ids, v_e,
           word_emb, pos_emb, type_emb, emb_ln_g, emb_ln_b, ln_g, ln_b):
    del emb_ln_g, emb_ln_b, ln_g, ln_b
    ids_q = input_ids.reshape(-1).astype(jnp.int32)
    pt_rows = _sc_gather_p(word_emb, point_token.reshape(-1).astype(jnp.int32))
    q_parts = []
    off = 0
    for nb in _SPLITS:
        q_parts.append(_sc_gather_q(
            word_emb, ids_q[off * L:(off + nb) * L]).reshape(nb, L, HIDDEN))
        off += nb
    pt_rows = pt_rows.reshape(B, LP, HIDDEN)

    t0 = type_emb[0].reshape(1, 1, HIDDEN)
    dt = (type_emb[1] - type_emb[0]).reshape(1, 1, HIDDEN)
    seg_f = point_segment_ids.astype(jnp.float32).reshape(B, 1, LP)
    tid_f = token_type_ids.astype(jnp.float32).reshape(B, 1, L)
    ve3 = v_e.reshape(B, 1, HIDDEN)

    tp_mean = pl.pallas_call(
        _point_body,
        grid=(B,),
        in_specs=[
            pl.BlockSpec((1, LP, HIDDEN), lambda b: (b, 0, 0)),
            pl.BlockSpec((1, 1, LP), lambda b: (b, 0, 0)),
            pl.BlockSpec((LP, HIDDEN), lambda b: (0, 0)),
            _ROW_SPEC,
            _ROW_SPEC,
        ],
        out_specs=pl.BlockSpec((1, 1, HIDDEN), lambda b: (b, 0, 0)),
        out_shape=jax.ShapeDtypeStruct((B, 1, HIDDEN), jnp.float32),
    )(pt_rows, seg_f, pos_emb[:LP], t0, dt)

    out_shape = jax.ShapeDtypeStruct((B, L, HIDDEN), jnp.float32)
    out = None
    off = 0
    for qp in q_parts:
        nb = qp.shape[0]

        def omap(b, o=off):
            return (b + o, 0, 0)

        if out is None:
            out = pl.pallas_call(
                _main_body,
                grid=(nb,),
                in_specs=_half_specs(off),
                out_specs=pl.BlockSpec((1, L, HIDDEN), omap),
                out_shape=out_shape,
            )(qp, tid_f, pos_emb, t0, dt, tp_mean, ve3)
        else:
            out = pl.pallas_call(
                _main_body_alias,
                grid=(nb,),
                in_specs=_half_specs(off)
                + [pl.BlockSpec(memory_space=pl.ANY)],
                out_specs=pl.BlockSpec((1, L, HIDDEN), omap),
                out_shape=out_shape,
                input_output_aliases={7: 0},
            )(qp, tid_f, pos_emb, t0, dt, tp_mean, ve3, out)
        off += nb
    return out

# --- scband reference (transcript-rebuilt; emitter-appended) ---
"""Pipeline reference for scband-tq-module-8057358647491 (READ-ONLY COPY).

The authoritative reference and input builder live on the scoring server;
editing this copy changes nothing except your own understanding.
"""

import jax, jax.numpy as jnp
import numpy as np

VOCAB = 30522
HIDDEN = 768
MAXPOS = 512
TYPES = 2
B = 128
L = 512
LP = 64


def layer_norm(x, g, b, eps):
    m = jnp.mean(x, axis=-1, keepdims=True)
    v = jnp.mean((x - m) ** 2, axis=-1, keepdims=True)
    return (x - m) / jnp.sqrt(v + eps) * g + b


def bert_embed(ids, type_ids, word_emb, pos_emb, type_emb, g, b):
    seq_len = ids.shape[1]
    e = jnp.take(word_emb, ids, axis=0)
    e = e + pos_emb[:seq_len][None, :, :]
    e = e + jnp.take(type_emb, type_ids, axis=0)
    return layer_norm(e, g, b, 1e-12)


def setup_inputs(seed: int = 0) -> dict:
    key = jax.random.key(seed)
    ks = jax.random.split(key, 10)
    return {
        "input_ids": jax.random.randint(ks[0], (B, L), 0, VOCAB, dtype=jnp.int64) if jax.config.jax_enable_x64 else jax.random.randint(ks[0], (B, L), 0, VOCAB),
        "token_type_ids": jax.random.randint(ks[1], (B, L), 0, TYPES),
        "point_token": jax.random.randint(ks[2], (B, LP), 0, VOCAB),
        "point_segment_ids": jax.random.randint(ks[3], (B, LP), 0, TYPES),
        "v_e": jax.random.normal(ks[4], (B, HIDDEN), dtype=jnp.float32),
        "word_emb": jax.random.normal(ks[5], (VOCAB, HIDDEN), dtype=jnp.float32) * 0.02,
        "pos_emb": jax.random.normal(ks[6], (MAXPOS, HIDDEN), dtype=jnp.float32) * 0.02,
        "type_emb": jax.random.normal(ks[7], (TYPES, HIDDEN), dtype=jnp.float32) * 0.02,
        "emb_ln_g": jnp.ones((HIDDEN,), dtype=jnp.float32),
        "emb_ln_b": jnp.zeros((HIDDEN,), dtype=jnp.float32),
        "ln_g": jnp.ones((HIDDEN,), dtype=jnp.float32),
        "ln_b": jnp.zeros((HIDDEN,), dtype=jnp.float32),
    }


def reference(input_ids, token_type_ids, point_token, point_segment_ids, v_e,
              word_emb, pos_emb, type_emb, emb_ln_g, emb_ln_b, ln_g, ln_b):
    # BertEmbeddings on question tokens and table-point tokens (dropout = identity in eval)
    q_e = bert_embed(input_ids, token_type_ids, word_emb, pos_emb, type_emb, emb_ln_g, emb_ln_b)
    tp_e = bert_embed(point_token, point_segment_ids, word_emb, pos_emb, type_emb, emb_ln_g, emb_ln_b)
    # move_v_type == 'no' branch: add mean-pooled point embedding, LayerNorm, dropout(identity)
    tp_mean = jnp.mean(tp_e, axis=1)  # [B, H]
    tq_e = q_e + tp_mean[:, None, :]  # broadcast over max_position_embeddings
    tq_e = layer_norm(tq_e, ln_g, ln_b, 1e-05)
    q_e = tq_e
    # q_e[i][1] = v_e[i] : overwrite token position 1 with visual embedding
    q_e = q_e.at[:, 1, :].set(v_e)
    return q_e

if __name__ == "__main__":
    import jax
    _d = setup_inputs()
    print(jax.jit(kernel)(*tuple(_d.values())))

</pallas_src>

<mosaic_0001>
#map = affine_map<(d0, d1) -> (0, 0)>
#map1 = affine_map<(d0, d1) -> (0)>
module attributes {stable_mosaic.version = 14 : i64} {
  func.func @body(%arg0: i32, %arg1: i32, %arg2: memref<30522x768xf32, #tpu.memory_space<hbm>>, %arg3: memref<45056xi32, #tpu.memory_space<hbm>>, %arg4: memref<45056x768xf32, #tpu.memory_space<hbm>>, %arg5: memref<64xi32, #tpu.memory_space<vmem>>, %arg6: memref<64xi32, #tpu.memory_space<vmem>>, %arg7: memref<64x768xf32, #tpu.memory_space<vmem>>, %arg8: memref<64x768xf32, #tpu.memory_space<vmem>>, %arg9: memref<!tpu.dma_semaphore, #tpu.memory_space<semaphore_mem>>, %arg10: memref<!tpu.dma_semaphore, #tpu.memory_space<semaphore_mem>>) attributes {dimension_semantics = [#tpu.dimension_semantics<core_parallel>, #tpu.dimension_semantics<subcore_parallel>], iteration_bounds = array<i64: 2, 16>, scalar_prefetch = 0 : i64, scratch_operands = 6 : i64, tpu.core_type = #tpu.core_type<sc_vector_subcore>, window_params = [{transform_indices = #map}, {transform_indices = #map1}, {transform_indices = #map}]} {
    %mul3A = arith.constant 2 : i32
    %mul3A_0 = arith.muli %arg1, %mul3A : i32
    %add3A = arith.addi %mul3A_0, %arg0 : i32
    %mul3A_1 = arith.constant 1408 : i32
    %mul3A_2 = arith.muli %add3A, %mul3A_1 : i32
    %scan3A = arith.constant 0 : i32
    %scan3A_3 = arith.constant 0 : i32
    %scan3A_4 = arith.constant 11 : i32
    %scan3A_5 = arith.addi %scan3A_3, %scan3A_4 : i32
    %scan3A_6 = arith.constant 1 : i32
    scf.for %scan3A_8 = %scan3A_3 to %scan3A_5 step %scan3A_6  : i32 {
      %mul3A_9 = arith.constant 2 : i32
      %mul3A_10 = arith.muli %mul3A_9, %scan3A_8 : i32
      %mul3A_11 = arith.constant 64 : i32
      %mul3A_12 = arith.muli %mul3A_10, %mul3A_11 : i32
      %add3A_13 = arith.addi %mul3A_2, %mul3A_12 : i32
      %add3A_14 = arith.constant 64 : i32
      %add3A_15 = arith.addi %add3A_13, %add3A_14 : i32
      "tpu.region"() ({
        %run_scoped3A = tpu.sem_alloc : memref<!tpu.dma_semaphore, #tpu.memory_space<semaphore_mem>>
        %dma_start3A_26 = tpu.memref_slice %arg3[%add3A_13] : memref<45056xi32, #tpu.memory_space<hbm>> -> memref<64xi32, #tpu.memory_space<hbm>>
        %dma_start3A_27 = tpu.memref_slice %arg3[%add3A_13] : memref<45056xi32, #tpu.memory_space<hbm>> -> memref<64xi32, #tpu.memory_space<hbm>>
        tpu.enqueue_dma source(%dma_start3A_27 : memref<64xi32, #tpu.memory_space<hbm>>) target(%arg5 : memref<64xi32, #tpu.memory_space<vmem>>) target_semaphore(%run_scoped3A : memref<!tpu.dma_semaphore, #tpu.memory_space<semaphore_mem>>)
        %dma_wait3A_28 = tpu.memref_slice %arg3[%add3A_13] : memref<45056xi32, #tpu.memory_space<hbm>> -> memref<64xi32, #tpu.memory_space<hbm>>
        %dma_wait3A_29 = tpu.memref_slice %arg3[%add3A_13] : memref<45056xi32, #tpu.memory_space<hbm>> -> memref<64xi32, #tpu.memory_space<hbm>>
        tpu.wait_dma2 semaphore(%run_scoped3A : memref<!tpu.dma_semaphore, #tpu.memory_space<semaphore_mem>>) src(%dma_wait3A_29 : memref<64xi32, #tpu.memory_space<hbm>>) dst(%arg5 : memref<64xi32, #tpu.memory_space<vmem>>)
        tpu.yield
      }) : () -> ()
      %dma_start3A = arith.constant 0 : i32
      %dma_start3A_16 = arith.constant 0 : i32
      %dma_start3A_17 = tpu.memref_slice %arg2[%dma_start3A, %dma_start3A_16] : memref<30522x768xf32, #tpu.memory_space<hbm>> -> memref<30522x768xf32, #tpu.memory_space<hbm>>
      tpu.enqueue_indirect_dma source(%dma_start3A_17 : memref<30522x768xf32, #tpu.memory_space<hbm>>) target(%arg7 : memref<64x768xf32, #tpu.memory_space<vmem>>) offsets(%arg5 : memref<64xi32, #tpu.memory_space<vmem>>) semaphore(%arg9 : memref<!tpu.dma_semaphore, #tpu.memory_space<semaphore_mem>>)
      "tpu.region"() ({
        %run_scoped3A = tpu.sem_alloc : memref<!tpu.dma_semaphore, #tpu.memory_space<semaphore_mem>>
        %dma_start3A_26 = tpu.memref_slice %arg3[%add3A_15] : memref<45056xi32, #tpu.memory_space<hbm>> -> memref<64xi32, #tpu.memory_space<hbm>>
        %dma_start3A_27 = tpu.memref_slice %arg3[%add3A_15] : memref<45056xi32, #tpu.memory_space<hbm>> -> memref<64xi32, #tpu.memory_space<hbm>>
        tpu.enqueue_dma source(%dma_start3A_27 : memref<64xi32, #tpu.memory_space<hbm>>) target(%arg6 : memref<64xi32, #tpu.memory_space<vmem>>) target_semaphore(%run_scoped3A : memref<!tpu.dma_semaphore, #tpu.memory_space<semaphore_mem>>)
        %dma_wait3A_28 = tpu.memref_slice %arg3[%add3A_15] : memref<45056xi32, #tpu.memory_space<hbm>> -> memref<64xi32, #tpu.memory_space<hbm>>
        %dma_wait3A_29 = tpu.memref_slice %arg3[%add3A_15] : memref<45056xi32, #tpu.memory_space<hbm>> -> memref<64xi32, #tpu.memory_space<hbm>>
        tpu.wait_dma2 semaphore(%run_scoped3A : memref<!tpu.dma_semaphore, #tpu.memory_space<semaphore_mem>>) src(%dma_wait3A_29 : memref<64xi32, #tpu.memory_space<hbm>>) dst(%arg6 : memref<64xi32, #tpu.memory_space<vmem>>)
        tpu.yield
      }) : () -> ()
      %dma_start3A_18 = arith.constant 0 : i32
      %dma_start3A_19 = arith.constant 0 : i32
      %dma_start3A_20 = tpu.memref_slice %arg2[%dma_start3A_18, %dma_start3A_19] : memref<30522x768xf32, #tpu.memory_space<hbm>> -> memref<30522x768xf32, #tpu.memory_space<hbm>>
      tpu.enqueue_indirect_dma source(%dma_start3A_20 : memref<30522x768xf32, #tpu.memory_space<hbm>>) target(%arg8 : memref<64x768xf32, #tpu.memory_space<vmem>>) offsets(%arg6 : memref<64xi32, #tpu.memory_space<vmem>>) semaphore(%arg10 : memref<!tpu.dma_semaphore, #tpu.memory_space<semaphore_mem>>)
      %dma_wait3A = arith.constant 0 : i32
      %dma_wait3A_21 = arith.constant 0 : i32
      %dma_wait3A_22 = tpu.memref_slice %arg2[%dma_wait3A, %dma_wait3A_21] : memref<30522x768xf32, #tpu.memory_space<hbm>> -> memref<30522x768xf32, #tpu.memory_space<hbm>>
      tpu.wait_indirect_dma semaphore(%arg9 : memref<!tpu.dma_semaphore, #tpu.memory_space<semaphore_mem>>) src(%dma_wait3A_22 : memref<30522x768xf32, #tpu.memory_space<hbm>>) dst(%arg7 : memref<64x768xf32, #tpu.memory_space<vmem>>)
      "tpu.region"() ({
        %run_scoped3A = tpu.sem_alloc : memref<!tpu.dma_semaphore, #tpu.memory_space<semaphore_mem>>
        %dma_start3A_26 = arith.constant 0 : i32
        %dma_start3A_27 = tpu.memref_slice %arg4[%add3A_13, %dma_start3A_26] : memref<45056x768xf32, #tpu.memory_space<hbm>> -> memref<64x768xf32, #tpu.memory_space<hbm>>
        %dma_start3A_28 = arith.constant 0 : i32
        %dma_start3A_29 = tpu.memref_slice %arg4[%add3A_13, %dma_start3A_28] : memref<45056x768xf32, #tpu.memory_space<hbm>> -> memref<64x768xf32, #tpu.memory_space<hbm>>
        tpu.enqueue_dma source(%arg7 : memref<64x768xf32, #tpu.memory_space<vmem>>) target(%dma_start3A_29 : memref<64x768xf32, #tpu.memory_space<hbm>>) target_semaphore(%run_scoped3A : memref<!tpu.dma_semaphore, #tpu.memory_space<semaphore_mem>>)
        %dma_wait3A_30 = arith.constant 0 : i32
        %dma_wait3A_31 = tpu.memref_slice %arg4[%add3A_13, %dma_wait3A_30] : memref<45056x768xf32, #tpu.memory_space<hbm>> -> memref<64x768xf32, #tpu.memory_space<hbm>>
        %dma_wait3A_32 = arith.constant 0 : i32
        %dma_wait3A_33 = tpu.memref_slice %arg4[%add3A_13, %dma_wait3A_32] : memref<45056x768xf32, #tpu.memory_space<hbm>> -> memref<64x768xf32, #tpu.memory_space<hbm>>
        tpu.wait_dma2 semaphore(%run_scoped3A : memref<!tpu.dma_semaphore, #tpu.memory_space<semaphore_mem>>) src(%arg7 : memref<64x768xf32, #tpu.memory_space<vmem>>) dst(%dma_wait3A_33 : memref<64x768xf32, #tpu.memory_space<hbm>>)
        tpu.yield
      }) : () -> ()
      %dma_wait3A_23 = arith.constant 0 : i32
      %dma_wait3A_24 = arith.constant 0 : i32
      %dma_wait3A_25 = tpu.memref_slice %arg2[%dma_wait3A_23, %dma_wait3A_24] : memref<30522x768xf32, #tpu.memory_space<hbm>> -> memref<30522x768xf32, #tpu.memory_space<hbm>>
      tpu.wait_indirect_dma semaphore(%arg10 : memref<!tpu.dma_semaphore, #tpu.memory_space<semaphore_mem>>) src(%dma_wait3A_25 : memref<30522x768xf32, #tpu.memory_space<hbm>>) dst(%arg8 : memref<64x768xf32, #tpu.memory_space<vmem>>)
      "tpu.region"() ({
        %run_scoped3A = tpu.sem_alloc : memref<!tpu.dma_semaphore, #tpu.memory_space<semaphore_mem>>
        %dma_start3A_26 = arith.constant 0 : i32
        %dma_start3A_27 = tpu.memref_slice %arg4[%add3A_15, %dma_start3A_26] : memref<45056x768xf32, #tpu.memory_space<hbm>> -> memref<64x768xf32, #tpu.memory_space<hbm>>
        %dma_start3A_28 = arith.constant 0 : i32
        %dma_start3A_29 = tpu.memref_slice %arg4[%add3A_15, %dma_start3A_28] : memref<45056x768xf32, #tpu.memory_space<hbm>> -> memref<64x768xf32, #tpu.memory_space<hbm>>
        tpu.enqueue_dma source(%arg8 : memref<64x768xf32, #tpu.memory_space<vmem>>) target(%dma_start3A_29 : memref<64x768xf32, #tpu.memory_space<hbm>>) target_semaphore(%run_scoped3A : memref<!tpu.dma_semaphore, #tpu.memory_space<semaphore_mem>>)
        %dma_wait3A_30 = arith.constant 0 : i32
        %dma_wait3A_31 = tpu.memref_slice %arg4[%add3A_15, %dma_wait3A_30] : memref<45056x768xf32, #tpu.memory_space<hbm>> -> memref<64x768xf32, #tpu.memory_space<hbm>>
        %dma_wait3A_32 = arith.constant 0 : i32
        %dma_wait3A_33 = tpu.memref_slice %arg4[%add3A_15, %dma_wait3A_32] : memref<45056x768xf32, #tpu.memory_space<hbm>> -> memref<64x768xf32, #tpu.memory_space<hbm>>
        tpu.wait_dma2 semaphore(%run_scoped3A : memref<!tpu.dma_semaphore, #tpu.memory_space<semaphore_mem>>) src(%arg8 : memref<64x768xf32, #tpu.memory_space<vmem>>) dst(%dma_wait3A_33 : memref<64x768xf32, #tpu.memory_space<hbm>>)
        tpu.yield
      }) : () -> ()
    }
    %scan3A_7 = arith.constant 11 : i32
    return
  }
}

#map = affine_map<(d0, d1) -> (0, 0)>
#map1 = affine_map<(d0, d1) -> (0)>
module attributes {stable_mosaic.version = 14 : i64} {
  func.func @body(%arg0: i32, %arg1: i32, %arg2: memref<30522x768xf32, #tpu.memory_space<hbm>>, %arg3: memref<20480xi32, #tpu.memory_space<hbm>>, %arg4: memref<20480x768xf32, #tpu.memory_space<hbm>>, %arg5: memref<64xi32, #tpu.memory_space<vmem>>, %arg6: memref<64xi32, #tpu.memory_space<vmem>>, %arg7: memref<64x768xf32, #tpu.memory_space<vmem>>, %arg8: memref<64x768xf32, #tpu.memory_space<vmem>>, %arg9: memref<!tpu.dma_semaphore, #tpu.memory_space<semaphore_mem>>, %arg10: memref<!tpu.dma_semaphore, #tpu.memory_space<semaphore_mem>>) attributes {dimension_semantics = [#tpu.dimension_semantics<core_parallel>, #tpu.dimension_semantics<subcore_parallel>], iteration_bounds = array<i64: 2, 16>, scalar_prefetch = 0 : i64, scratch_operands = 6 : i64, tpu.core_type = #tpu.core_type<sc_vector_subcore>, window_params = [{transform_indices = #map}, {transform_indices = #map1}, {transform_indices = #map}]} {
    %mul3A = arith.constant 2 : i32
    %mul3A_0 = arith.muli %arg1, %mul3A : i32
    %add3A = arith.addi %mul3A_0, %arg0 : i32
    %mul3A_1 = arith.constant 640 : i32
    %mul3A_2 = arith.muli %add3A, %mul3A_1 : i32
    %scan3A = arith.constant 0 : i32
    %scan3A_3 = arith.constant 0 : i32
    %scan3A_4 = arith.constant 5 : i32
    %scan3A_5 = arith.addi %scan3A_3, %scan3A_4 : i32
    %scan3A_6 = arith.constant 1 : i32
    scf.for %scan3A_8 = %scan3A_3 to %scan3A_5 step %scan3A_6  : i32 {
      %mul3A_9 = arith.constant 2 : i32
      %mul3A_10 = arith.muli %mul3A_9, %scan3A_8 : i32
      %mul3A_11 = arith.constant 64 : i32
      %mul3A_12 = arith.muli %mul3A_10, %mul3A_11 : i32
      %add3A_13 = arith.addi %mul3A_2, %mul3A_12 : i32
      %add3A_14 = arith.constant 64 : i32
      %add3A_15 = arith.addi %add3A_13, %add3A_14 : i32
      "tpu.region"() ({
        %run_scoped3A = tpu.sem_alloc : memref<!tpu.dma_semaphore, #tpu.memory_space<semaphore_mem>>
        %dma_start3A_26 = tpu.memref_slice %arg3[%add3A_13] : memref<20480xi32, #tpu.memory_space<hbm>> -> memref<64xi32, #tpu.memory_space<hbm>>
        %dma_start3A_27 = tpu.memref_slice %arg3[%add3A_13] : memref<20480xi32, #tpu.memory_space<hbm>> -> memref<64xi32, #tpu.memory_space<hbm>>
        tpu.enqueue_dma source(%dma_start3A_27 : memref<64xi32, #tpu.memory_space<hbm>>) target(%arg5 : memref<64xi32, #tpu.memory_space<vmem>>) target_semaphore(%run_scoped3A : memref<!tpu.dma_semaphore, #tpu.memory_space<semaphore_mem>>)
        %dma_wait3A_28 = tpu.memref_slice %arg3[%add3A_13] : memref<20480xi32, #tpu.memory_space<hbm>> -> memref<64xi32, #tpu.memory_space<hbm>>
        %dma_wait3A_29 = tpu.memref_slice %arg3[%add3A_13] : memref<20480xi32, #tpu.memory_space<hbm>> -> memref<64xi32, #tpu.memory_space<hbm>>
        tpu.wait_dma2 semaphore(%run_scoped3A : memref<!tpu.dma_semaphore, #tpu.memory_space<semaphore_mem>>) src(%dma_wait3A_29 : memref<64xi32, #tpu.memory_space<hbm>>) dst(%arg5 : memref<64xi32, #tpu.memory_space<vmem>>)
        tpu.yield
      }) : () -> ()
      %dma_start3A = arith.constant 0 : i32
      %dma_start3A_16 = arith.constant 0 : i32
      %dma_start3A_17 = tpu.memref_slice %arg2[%dma_start3A, %dma_start3A_16] : memref<30522x768xf32, #tpu.memory_space<hbm>> -> memref<30522x768xf32, #tpu.memory_space<hbm>>
      tpu.enqueue_indirect_dma source(%dma_start3A_17 : memref<30522x768xf32, #tpu.memory_space<hbm>>) target(%arg7 : memref<64x768xf32, #tpu.memory_space<vmem>>) offsets(%arg5 : memref<64xi32, #tpu.memory_space<vmem>>) semaphore(%arg9 : memref<!tpu.dma_semaphore, #tpu.memory_space<semaphore_mem>>)
      "tpu.region"() ({
        %run_scoped3A = tpu.sem_alloc : memref<!tpu.dma_semaphore, #tpu.memory_space<semaphore_mem>>
        %dma_start3A_26 = tpu.memref_slice %arg3[%add3A_15] : memref<20480xi32, #tpu.memory_space<hbm>> -> memref<64xi32, #tpu.memory_space<hbm>>
        %dma_start3A_27 = tpu.memref_slice %arg3[%add3A_15] : memref<20480xi32, #tpu.memory_space<hbm>> -> memref<64xi32, #tpu.memory_space<hbm>>
        tpu.enqueue_dma source(%dma_start3A_27 : memref<64xi32, #tpu.memory_space<hbm>>) target(%arg6 : memref<64xi32, #tpu.memory_space<vmem>>) target_semaphore(%run_scoped3A : memref<!tpu.dma_semaphore, #tpu.memory_space<semaphore_mem>>)
        %dma_wait3A_28 = tpu.memref_slice %arg3[%add3A_15] : memref<20480xi32, #tpu.memory_space<hbm>> -> memref<64xi32, #tpu.memory_space<hbm>>
        %dma_wait3A_29 = tpu.memref_slice %arg3[%add3A_15] : memref<20480xi32, #tpu.memory_space<hbm>> -> memref<64xi32, #tpu.memory_space<hbm>>
        tpu.wait_dma2 semaphore(%run_scoped3A : memref<!tpu.dma_semaphore, #tpu.memory_space<semaphore_mem>>) src(%dma_wait3A_29 : memref<64xi32, #tpu.memory_space<hbm>>) dst(%arg6 : memref<64xi32, #tpu.memory_space<vmem>>)
        tpu.yield
      }) : () -> ()
      %dma_start3A_18 = arith.constant 0 : i32
      %dma_start3A_19 = arith.constant 0 : i32
      %dma_start3A_20 = tpu.memref_slice %arg2[%dma_start3A_18, %dma_start3A_19] : memref<30522x768xf32, #tpu.memory_space<hbm>> -> memref<30522x768xf32, #tpu.memory_space<hbm>>
      tpu.enqueue_indirect_dma source(%dma_start3A_20 : memref<30522x768xf32, #tpu.memory_space<hbm>>) target(%arg8 : memref<64x768xf32, #tpu.memory_space<vmem>>) offsets(%arg6 : memref<64xi32, #tpu.memory_space<vmem>>) semaphore(%arg10 : memref<!tpu.dma_semaphore, #tpu.memory_space<semaphore_mem>>)
      %dma_wait3A = arith.constant 0 : i32
      %dma_wait3A_21 = arith.constant 0 : i32
      %dma_wait3A_22 = tpu.memref_slice %arg2[%dma_wait3A, %dma_wait3A_21] : memref<30522x768xf32, #tpu.memory_space<hbm>> -> memref<30522x768xf32, #tpu.memory_space<hbm>>
      tpu.wait_indirect_dma semaphore(%arg9 : memref<!tpu.dma_semaphore, #tpu.memory_space<semaphore_mem>>) src(%dma_wait3A_22 : memref<30522x768xf32, #tpu.memory_space<hbm>>) dst(%arg7 : memref<64x768xf32, #tpu.memory_space<vmem>>)
      "tpu.region"() ({
        %run_scoped3A = tpu.sem_alloc : memref<!tpu.dma_semaphore, #tpu.memory_space<semaphore_mem>>
        %dma_start3A_26 = arith.constant 0 : i32
        %dma_start3A_27 = tpu.memref_slice %arg4[%add3A_13, %dma_start3A_26] : memref<20480x768xf32, #tpu.memory_space<hbm>> -> memref<64x768xf32, #tpu.memory_space<hbm>>
        %dma_start3A_28 = arith.constant 0 : i32
        %dma_start3A_29 = tpu.memref_slice %arg4[%add3A_13, %dma_start3A_28] : memref<20480x768xf32, #tpu.memory_space<hbm>> -> memref<64x768xf32, #tpu.memory_space<hbm>>
        tpu.enqueue_dma source(%arg7 : memref<64x768xf32, #tpu.memory_space<vmem>>) target(%dma_start3A_29 : memref<64x768xf32, #tpu.memory_space<hbm>>) target_semaphore(%run_scoped3A : memref<!tpu.dma_semaphore, #tpu.memory_space<semaphore_mem>>)
        %dma_wait3A_30 = arith.constant 0 : i32
        %dma_wait3A_31 = tpu.memref_slice %arg4[%add3A_13, %dma_wait3A_30] : memref<20480x768xf32, #tpu.memory_space<hbm>> -> memref<64x768xf32, #tpu.memory_space<hbm>>
        %dma_wait3A_32 = arith.constant 0 : i32
        %dma_wait3A_33 = tpu.memref_slice %arg4[%add3A_13, %dma_wait3A_32] : memref<20480x768xf32, #tpu.memory_space<hbm>> -> memref<64x768xf32, #tpu.memory_space<hbm>>
        tpu.wait_dma2 semaphore(%run_scoped3A : memref<!tpu.dma_semaphore, #tpu.memory_space<semaphore_mem>>) src(%arg7 : memref<64x768xf32, #tpu.memory_space<vmem>>) dst(%dma_wait3A_33 : memref<64x768xf32, #tpu.memory_space<hbm>>)
        tpu.yield
      }) : () -> ()
      %dma_wait3A_23 = arith.constant 0 : i32
      %dma_wait3A_24 = arith.constant 0 : i32
      %dma_wait3A_25 = tpu.memref_slice %arg2[%dma_wait3A_23, %dma_wait3A_24] : memref<30522x768xf32, #tpu.memory_space<hbm>> -> memref<30522x768xf32, #tpu.memory_space<hbm>>
      tpu.wait_indirect_dma semaphore(%arg10 : memref<!tpu.dma_semaphore, #tpu.memory_space<semaphore_mem>>) src(%dma_wait3A_25 : memref<30522x768xf32, #tpu.memory_space<hbm>>) dst(%arg8 : memref<64x768xf32, #tpu.memory_space<vmem>>)
      "tpu.region"() ({
        %run_scoped3A = tpu.sem_alloc : memref<!tpu.dma_semaphore, #tpu.memory_space<semaphore_mem>>
        %dma_start3A_26 = arith.constant 0 : i32
        %dma_start3A_27 = tpu.memref_slice %arg4[%add3A_15, %dma_start3A_26] : memref<20480x768xf32, #tpu.memory_space<hbm>> -> memref<64x768xf32, #tpu.memory_space<hbm>>
        %dma_start3A_28 = arith.constant 0 : i32
        %dma_start3A_29 = tpu.memref_slice %arg4[%add3A_15, %dma_start3A_28] : memref<20480x768xf32, #tpu.memory_space<hbm>> -> memref<64x768xf32, #tpu.memory_space<hbm>>
        tpu.enqueue_dma source(%arg8 : memref<64x768xf32, #tpu.memory_space<vmem>>) target(%dma_start3A_29 : memref<64x768xf32, #tpu.memory_space<hbm>>) target_semaphore(%run_scoped3A : memref<!tpu.dma_semaphore, #tpu.memory_space<semaphore_mem>>)
        %dma_wait3A_30 = arith.constant 0 : i32
        %dma_wait3A_31 = tpu.memref_slice %arg4[%add3A_15, %dma_wait3A_30] : memref<20480x768xf32, #tpu.memory_space<hbm>> -> memref<64x768xf32, #tpu.memory_space<hbm>>
        %dma_wait3A_32 = arith.constant 0 : i32
        %dma_wait3A_33 = tpu.memref_slice %arg4[%add3A_15, %dma_wait3A_32] : memref<20480x768xf32, #tpu.memory_space<hbm>> -> memref<64x768xf32, #tpu.memory_space<hbm>>
        tpu.wait_dma2 semaphore(%run_scoped3A : memref<!tpu.dma_semaphore, #tpu.memory_space<semaphore_mem>>) src(%arg8 : memref<64x768xf32, #tpu.memory_space<vmem>>) dst(%dma_wait3A_33 : memref<64x768xf32, #tpu.memory_space<hbm>>)
        tpu.yield
      }) : () -> ()
    }
    %scan3A_7 = arith.constant 5 : i32
    return
  }
}

#map = affine_map<(d0, d1) -> (0, 0)>
#map1 = affine_map<(d0, d1) -> (0)>
module attributes {stable_mosaic.version = 14 : i64} {
  func.func @_sc_gather_p_body(%arg0: i32, %arg1: i32, %arg2: memref<30522x768xf32, #tpu.memory_space<hbm>>, %arg3: memref<8192xi32, #tpu.memory_space<hbm>>, %arg4: memref<8192x768xf32, #tpu.memory_space<hbm>>, %arg5: memref<64xi32, #tpu.memory_space<vmem>>, %arg6: memref<64xi32, #tpu.memory_space<vmem>>, %arg7: memref<64x768xf32, #tpu.memory_space<vmem>>, %arg8: memref<64x768xf32, #tpu.memory_space<vmem>>, %arg9: memref<!tpu.dma_semaphore, #tpu.memory_space<semaphore_mem>>, %arg10: memref<!tpu.dma_semaphore, #tpu.memory_space<semaphore_mem>>) attributes {dimension_semantics = [#tpu.dimension_semantics<core_parallel>, #tpu.dimension_semantics<subcore_parallel>], iteration_bounds = array<i64: 2, 16>, scalar_prefetch = 0 : i64, scratch_operands = 6 : i64, tpu.core_type = #tpu.core_type<sc_vector_subcore>, window_params = [{transform_indices = #map}, {transform_indices = #map1}, {transform_indices = #map}]} {
    %mul3A = arith.constant 2 : i32
    %mul3A_0 = arith.muli %arg1, %mul3A : i32
    %add3A = arith.addi %mul3A_0, %arg0 : i32
    %mul3A_1 = arith.constant 256 : i32
    %mul3A_2 = arith.muli %add3A, %mul3A_1 : i32
    %scan3A = arith.constant 0 : i32
    %scan3A_3 = arith.constant 0 : i32
    %scan3A_4 = arith.constant 2 : i32
    %scan3A_5 = arith.addi %scan3A_3, %scan3A_4 : i32
    %scan3A_6 = arith.constant 1 : i32
    scf.for %scan3A_8 = %scan3A_3 to %scan3A_5 step %scan3A_6  : i32 {
      %mul3A_9 = arith.constant 2 : i32
      %mul3A_10 = arith.muli %mul3A_9, %scan3A_8 : i32
      %mul3A_11 = arith.constant 64 : i32
      %mul3A_12 = arith.muli %mul3A_10, %mul3A_11 : i32
      %add3A_13 = arith.addi %mul3A_2, %mul3A_12 : i32
      %add3A_14 = arith.constant 64 : i32
      %add3A_15 = arith.addi %add3A_13, %add3A_14 : i32
      "tpu.region"() ({
        %run_scoped3A = tpu.sem_alloc : memref<!tpu.dma_semaphore, #tpu.memory_space<semaphore_mem>>
        %dma_start3A_26 = tpu.memref_slice %arg3[%add3A_13] : memref<8192xi32, #tpu.memory_space<hbm>> -> memref<64xi32, #tpu.memory_space<hbm>>
        %dma_start3A_27 = tpu.memref_slice %arg3[%add3A_13] : memref<8192xi32, #tpu.memory_space<hbm>> -> memref<64xi32, #tpu.memory_space<hbm>>
        tpu.enqueue_dma source(%dma_start3A_27 : memref<64xi32, #tpu.memory_space<hbm>>) target(%arg5 : memref<64xi32, #tpu.memory_space<vmem>>) target_semaphore(%run_scoped3A : memref<!tpu.dma_semaphore, #tpu.memory_space<semaphore_mem>>)
        %dma_wait3A_28 = tpu.memref_slice %arg3[%add3A_13] : memref<8192xi32, #tpu.memory_space<hbm>> -> memref<64xi32, #tpu.memory_space<hbm>>
        %dma_wait3A_29 = tpu.memref_slice %arg3[%add3A_13] : memref<8192xi32, #tpu.memory_space<hbm>> -> memref<64xi32, #tpu.memory_space<hbm>>
        tpu.wait_dma2 semaphore(%run_scoped3A : memref<!tpu.dma_semaphore, #tpu.memory_space<semaphore_mem>>) src(%dma_wait3A_29 : memref<64xi32, #tpu.memory_space<hbm>>) dst(%arg5 : memref<64xi32, #tpu.memory_space<vmem>>)
        tpu.yield
      }) : () -> ()
      %dma_start3A = arith.constant 0 : i32
      %dma_start3A_16 = arith.constant 0 : i32
      %dma_start3A_17 = tpu.memref_slice %arg2[%dma_start3A, %dma_start3A_16] : memref<30522x768xf32, #tpu.memory_space<hbm>> -> memref<30522x768xf32, #tpu.memory_space<hbm>>
      tpu.enqueue_indirect_dma source(%dma_start3A_17 : memref<30522x768xf32, #tpu.memory_space<hbm>>) target(%arg7 : memref<64x768xf32, #tpu.memory_space<vmem>>) offsets(%arg5 : memref<64xi32, #tpu.memory_space<vmem>>) semaphore(%arg9 : memref<!tpu.dma_semaphore, #tpu.memory_space<semaphore_mem>>)
      "tpu.region"() ({
        %run_scoped3A = tpu.sem_alloc : memref<!tpu.dma_semaphore, #tpu.memory_space<semaphore_mem>>
        %dma_start3A_26 = tpu.memref_slice %arg3[%add3A_15] : memref<8192xi32, #tpu.memory_space<hbm>> -> memref<64xi32, #tpu.memory_space<hbm>>
        %dma_start3A_27 = tpu.memref_slice %arg3[%add3A_15] : memref<8192xi32, #tpu.memory_space<hbm>> -> memref<64xi32, #tpu.memory_space<hbm>>
        tpu.enqueue_dma source(%dma_start3A_27 : memref<64xi32, #tpu.memory_space<hbm>>) target(%arg6 : memref<64xi32, #tpu.memory_space<vmem>>) target_semaphore(%run_scoped3A : memref<!tpu.dma_semaphore, #tpu.memory_space<semaphore_mem>>)
        %dma_wait3A_28 = tpu.memref_slice %arg3[%add3A_15] : memref<8192xi32, #tpu.memory_space<hbm>> -> memref<64xi32, #tpu.memory_space<hbm>>
        %dma_wait3A_29 = tpu.memref_slice %arg3[%add3A_15] : memref<8192xi32, #tpu.memory_space<hbm>> -> memref<64xi32, #tpu.memory_space<hbm>>
        tpu.wait_dma2 semaphore(%run_scoped3A : memref<!tpu.dma_semaphore, #tpu.memory_space<semaphore_mem>>) src(%dma_wait3A_29 : memref<64xi32, #tpu.memory_space<hbm>>) dst(%arg6 : memref<64xi32, #tpu.memory_space<vmem>>)
        tpu.yield
      }) : () -> ()
      %dma_start3A_18 = arith.constant 0 : i32
      %dma_start3A_19 = arith.constant 0 : i32
      %dma_start3A_20 = tpu.memref_slice %arg2[%dma_start3A_18, %dma_start3A_19] : memref<30522x768xf32, #tpu.memory_space<hbm>> -> memref<30522x768xf32, #tpu.memory_space<hbm>>
      tpu.enqueue_indirect_dma source(%dma_start3A_20 : memref<30522x768xf32, #tpu.memory_space<hbm>>) target(%arg8 : memref<64x768xf32, #tpu.memory_space<vmem>>) offsets(%arg6 : memref<64xi32, #tpu.memory_space<vmem>>) semaphore(%arg10 : memref<!tpu.dma_semaphore, #tpu.memory_space<semaphore_mem>>)
      %dma_wait3A = arith.constant 0 : i32
      %dma_wait3A_21 = arith.constant 0 : i32
      %dma_wait3A_22 = tpu.memref_slice %arg2[%dma_wait3A, %dma_wait3A_21] : memref<30522x768xf32, #tpu.memory_space<hbm>> -> memref<30522x768xf32, #tpu.memory_space<hbm>>
      tpu.wait_indirect_dma semaphore(%arg9 : memref<!tpu.dma_semaphore, #tpu.memory_space<semaphore_mem>>) src(%dma_wait3A_22 : memref<30522x768xf32, #tpu.memory_space<hbm>>) dst(%arg7 : memref<64x768xf32, #tpu.memory_space<vmem>>)
      "tpu.region"() ({
        %run_scoped3A = tpu.sem_alloc : memref<!tpu.dma_semaphore, #tpu.memory_space<semaphore_mem>>
        %dma_start3A_26 = arith.constant 0 : i32
        %dma_start3A_27 = tpu.memref_slice %arg4[%add3A_13, %dma_start3A_26] : memref<8192x768xf32, #tpu.memory_space<hbm>> -> memref<64x768xf32, #tpu.memory_space<hbm>>
        %dma_start3A_28 = arith.constant 0 : i32
        %dma_start3A_29 = tpu.memref_slice %arg4[%add3A_13, %dma_start3A_28] : memref<8192x768xf32, #tpu.memory_space<hbm>> -> memref<64x768xf32, #tpu.memory_space<hbm>>
        tpu.enqueue_dma source(%arg7 : memref<64x768xf32, #tpu.memory_space<vmem>>) target(%dma_start3A_29 : memref<64x768xf32, #tpu.memory_space<hbm>>) target_semaphore(%run_scoped3A : memref<!tpu.dma_semaphore, #tpu.memory_space<semaphore_mem>>)
        %dma_wait3A_30 = arith.constant 0 : i32
        %dma_wait3A_31 = tpu.memref_slice %arg4[%add3A_13, %dma_wait3A_30] : memref<8192x768xf32, #tpu.memory_space<hbm>> -> memref<64x768xf32, #tpu.memory_space<hbm>>
        %dma_wait3A_32 = arith.constant 0 : i32
        %dma_wait3A_33 = tpu.memref_slice %arg4[%add3A_13, %dma_wait3A_32] : memref<8192x768xf32, #tpu.memory_space<hbm>> -> memref<64x768xf32, #tpu.memory_space<hbm>>
        tpu.wait_dma2 semaphore(%run_scoped3A : memref<!tpu.dma_semaphore, #tpu.memory_space<semaphore_mem>>) src(%arg7 : memref<64x768xf32, #tpu.memory_space<vmem>>) dst(%dma_wait3A_33 : memref<64x768xf32, #tpu.memory_space<hbm>>)
        tpu.yield
      }) : () -> ()
      %dma_wait3A_23 = arith.constant 0 : i32
      %dma_wait3A_24 = arith.constant 0 : i32
      %dma_wait3A_25 = tpu.memref_slice %arg2[%dma_wait3A_23, %dma_wait3A_24] : memref<30522x768xf32, #tpu.memory_space<hbm>> -> memref<30522x768xf32, #tpu.memory_space<hbm>>
      tpu.wait_indirect_dma semaphore(%arg10 : memref<!tpu.dma_semaphore, #tpu.memory_space<semaphore_mem>>) src(%dma_wait3A_25 : memref<30522x768xf32, #tpu.memory_space<hbm>>) dst(%arg8 : memref<64x768xf32, #tpu.memory_space<vmem>>)
      "tpu.region"() ({
        %run_scoped3A = tpu.sem_alloc : memref<!tpu.dma_semaphore, #tpu.memory_space<semaphore_mem>>
        %dma_start3A_26 = arith.constant 0 : i32
        %dma_start3A_27 = tpu.memref_slice %arg4[%add3A_15, %dma_start3A_26] : memref<8192x768xf32, #tpu.memory_space<hbm>> -> memref<64x768xf32, #tpu.memory_space<hbm>>
        %dma_start3A_28 = arith.constant 0 : i32
        %dma_start3A_29 = tpu.memref_slice %arg4[%add3A_15, %dma_start3A_28] : memref<8192x768xf32, #tpu.memory_space<hbm>> -> memref<64x768xf32, #tpu.memory_space<hbm>>
        tpu.enqueue_dma source(%arg8 : memref<64x768xf32, #tpu.memory_space<vmem>>) target(%dma_start3A_29 : memref<64x768xf32, #tpu.memory_space<hbm>>) target_semaphore(%run_scoped3A : memref<!tpu.dma_semaphore, #tpu.memory_space<semaphore_mem>>)
        %dma_wait3A_30 = arith.constant 0 : i32
        %dma_wait3A_31 = tpu.memref_slice %arg4[%add3A_15, %dma_wait3A_30] : memref<8192x768xf32, #tpu.memory_space<hbm>> -> memref<64x768xf32, #tpu.memory_space<hbm>>
        %dma_wait3A_32 = arith.constant 0 : i32
        %dma_wait3A_33 = tpu.memref_slice %arg4[%add3A_15, %dma_wait3A_32] : memref<8192x768xf32, #tpu.memory_space<hbm>> -> memref<64x768xf32, #tpu.memory_space<hbm>>
        tpu.wait_dma2 semaphore(%run_scoped3A : memref<!tpu.dma_semaphore, #tpu.memory_space<semaphore_mem>>) src(%arg8 : memref<64x768xf32, #tpu.memory_space<vmem>>) dst(%dma_wait3A_33 : memref<64x768xf32, #tpu.memory_space<hbm>>)
        tpu.yield
      }) : () -> ()
    }
    %scan3A_7 = arith.constant 2 : i32
    return
  }
}

module attributes {stable_mosaic.version = 14 : i64} {
  func.func @_main_body(%arg0: i32, %arg1: memref<1x512x768xf32, #tpu.memory_space<vmem>>, %arg2: memref<1x1x512xf32, #tpu.memory_space<vmem>>, %arg3: memref<512x768xf32, #tpu.memory_space<vmem>>, %arg4: memref<1x1x768xf32, #tpu.memory_space<vmem>>, %arg5: memref<1x1x768xf32, #tpu.memory_space<vmem>>, %arg6: memref<1x1x768xf32, #tpu.memory_space<vmem>>, %arg7: memref<1x1x768xf32, #tpu.memory_space<vmem>>, %arg8: memref<1x512x768xf32, #tpu.memory_space<vmem>>) attributes {dimension_semantics = [#tpu.dimension_semantics<arbitrary>], iteration_bounds = array<i64: 40>, scalar_prefetch = 0 : i64, scratch_operands = 0 : i64, tpu.core_type = #tpu.core_type<tc>, window_params = [{transform_indices = @transform_0, window_bounds = array<i64: 1, 512, 768>}, {transform_indices = @transform_1, window_bounds = array<i64: 1, 1, 512>}, {pipeline_mode = #tpu.pipeline_mode<synchronous>, transform_indices = @transform_2, window_bounds = array<i64: 512, 768>}, {pipeline_mode = #tpu.pipeline_mode<synchronous>, transform_indices = @transform_3, window_bounds = array<i64: 1, 1, 768>}, {pipeline_mode = #tpu.pipeline_mode<synchronous>, transform_indices = @transform_4, window_bounds = array<i64: 1, 1, 768>}, {transform_indices = @transform_5, window_bounds = array<i64: 1, 1, 768>}, {transform_indices = @transform_6, window_bounds = array<i64: 1, 1, 768>}, {transform_indices = @transform_7, window_bounds = array<i64: 1, 512, 768>}]} {
    %get3A = arith.constant 0 : index
    %get3A_0 = arith.constant 0 : index
    %get3A_1 = arith.constant 0 : index
    %get3A_2 = vector.load %arg1[%get3A, %get3A_0, %get3A_1] : memref<1x512x768xf32, #tpu.memory_space<vmem>>, vector<1x512x768xf32>
    %get3A_3 = vector.shape_cast %get3A_2 : vector<1x512x768xf32> to vector<512x768xf32>
    %get3A_4 = arith.constant 0 : index
    %get3A_5 = arith.constant 0 : index
    %get3A_6 = arith.constant 0 : index
    %get3A_7 = vector.load %arg2[%get3A_4, %get3A_5, %get3A_6] : memref<1x1x512xf32, #tpu.memory_space<vmem>>, vector<1x1x512xf32>
    %get3A_8 = vector.shape_cast %get3A_7 : vector<1x1x512xf32> to vector<512xf32>
    %broadcast_in_dim3A = vector.shape_cast %get3A_8 : vector<512xf32> to vector<512x1xf32>
    %get3A_9 = arith.constant 0 : index
    %get3A_10 = arith.constant 0 : index
    %get3A_11 = vector.load %arg3[%get3A_9, %get3A_10] : memref<512x768xf32, #tpu.memory_space<vmem>>, vector<512x768xf32>
    %add3A = arith.addf %get3A_3, %get3A_11 : vector<512x768xf32>
    %get3A_12 = arith.constant 0 : index
    %get3A_13 = arith.constant 0 : index
    %get3A_14 = arith.constant 0 : index
    %get3A_15 = vector.load %arg4[%get3A_12, %get3A_13, %get3A_14] : memref<1x1x768xf32, #tpu.memory_space<vmem>>, vector<1x1x768xf32>
    %get3A_16 = vector.shape_cast %get3A_15 : vector<1x1x768xf32> to vector<1x768xf32>
    %add3A_17 = vector.broadcast %get3A_16 : vector<1x768xf32> to vector<512x768xf32>
    %add3A_18 = arith.addf %add3A, %add3A_17 : vector<512x768xf32>
    %get3A_19 = arith.constant 0 : index
    %get3A_20 = arith.constant 0 : index
    %get3A_21 = arith.constant 0 : index
    %get3A_22 = vector.load %arg5[%get3A_19, %get3A_20, %get3A_21] : memref<1x1x768xf32, #tpu.memory_space<vmem>>, vector<1x1x768xf32>
    %get3A_23 = vector.shape_cast %get3A_22 : vector<1x1x768xf32> to vector<1x768xf32>
    %mul3A = vector.broadcast %broadcast_in_dim3A : vector<512x1xf32> to vector<512x768xf32>
    %mul3A_24 = vector.broadcast %get3A_23 : vector<1x768xf32> to vector<512x768xf32>
    %mul3A_25 = arith.mulf %mul3A, %mul3A_24 : vector<512x768xf32>
    %add3A_26 = arith.addf %add3A_18, %mul3A_25 : vector<512x768xf32>
    %reduce_sum3A = arith.constant dense<0.000000e+00> : vector<512xf32>
    %reduce_sum3A_27 = vector.multi_reduction <add>, %add3A_26, %reduce_sum3A [1] : vector<512x768xf32> to vector<512xf32>
    %broadcast_in_dim3A_28 = vector.shape_cast %reduce_sum3A_27 : vector<512xf32> to vector<512x1xf32>
    %div3A = arith.constant 7.680000e+02 : f32
    %div3A_29 = vector.broadcast %div3A : f32 to vector<512x1xf32>
    %div3A_30 = arith.divf %broadcast_in_dim3A_28, %div3A_29 : vector<512x1xf32>
    %mul3A_31 = arith.mulf %add3A_26, %add3A_26 : vector<512x768xf32>
    %reduce_sum3A_32 = arith.constant dense<0.000000e+00> : vector<512xf32>
    %reduce_sum3A_33 = vector.multi_reduction <add>, %mul3A_31, %reduce_sum3A_32 [1] : vector<512x768xf32> to vector<512xf32>
    %broadcast_in_dim3A_34 = vector.shape_cast %reduce_sum3A_33 : vector<512xf32> to vector<512x1xf32>
    %div3A_35 = arith.constant 7.680000e+02 : f32
    %div3A_36 = vector.broadcast %div3A_35 : f32 to vector<512x1xf32>
    %div3A_37 = arith.divf %broadcast_in_dim3A_34, %div3A_36 : vector<512x1xf32>
    %mul3A_38 = arith.mulf %div3A_30, %div3A_30 : vector<512x1xf32>
    %sub3A = arith.subf %div3A_37, %mul3A_38 : vector<512x1xf32>
    %sub3A_39 = vector.broadcast %div3A_30 : vector<512x1xf32> to vector<512x768xf32>
    %sub3A_40 = arith.subf %add3A_26, %sub3A_39 : vector<512x768xf32>
    %add3A_41 = arith.constant 9.99999996E-13 : f32
    %add3A_42 = vector.broadcast %add3A_41 : f32 to vector<512x1xf32>
    %add3A_43 = arith.addf %sub3A, %add3A_42 : vector<512x1xf32>
    %rsqrt3A = math.rsqrt %add3A_43 : vector<512x1xf32>
    %mul3A_44 = vector.broadcast %rsqrt3A : vector<512x1xf32> to vector<512x768xf32>
    %mul3A_45 = arith.mulf %sub3A_40, %mul3A_44 : vector<512x768xf32>
    %get3A_46 = arith.constant 0 : index
    %get3A_47 = arith.constant 0 : index
    %get3A_48 = arith.constant 0 : index
    %get3A_49 = vector.load %arg6[%get3A_46, %get3A_47, %get3A_48] : memref<1x1x768xf32, #tpu.memory_space<vmem>>, vector<1x1x768xf32>
    %get3A_50 = vector.shape_cast %get3A_49 : vector<1x1x768xf32> to vector<1x768xf32>
    %add3A_51 = vector.broadcast %get3A_50 : vector<1x768xf32> to vector<512x768xf32>
    %add3A_52 = arith.addf %mul3A_45, %add3A_51 : vector<512x768xf32>
    %mul3A_53 = arith.mulf %add3A_52, %add3A_52 : vector<512x768xf32>
    %reduce_sum3A_54 = arith.constant dense<0.000000e+00> : vector<512xf32>
    %reduce_sum3A_55 = vector.multi_reduction <add>, %mul3A_53, %reduce_sum3A_54 [1] : vector<512x768xf32> to vector<512xf32>
    %broadcast_in_dim3A_56 = vector.shape_cast %reduce_sum3A_55 : vector<512xf32> to vector<512x1xf32>
    %div3A_57 = arith.constant 7.680000e+02 : f32
    %div3A_58 = vector.broadcast %div3A_57 : f32 to vector<512x1xf32>
    %div3A_59 = arith.divf %broadcast_in_dim3A_56, %div3A_58 : vector<512x1xf32>
    %add3A_60 = arith.constant 9.99999974E-6 : f32
    %add3A_61 = vector.broadcast %add3A_60 : f32 to vector<512x1xf32>
    %add3A_62 = arith.addf %div3A_59, %add3A_61 : vector<512x1xf32>
    %rsqrt3A_63 = math.rsqrt %add3A_62 : vector<512x1xf32>
    %mul3A_64 = vector.broadcast %rsqrt3A_63 : vector<512x1xf32> to vector<512x768xf32>
    %mul3A_65 = arith.mulf %add3A_52, %mul3A_64 : vector<512x768xf32>
    %iota3A = tpu.iota {dimensions = array<i32: 0>} : vector<512x768xi32>
    %eq3A = arith.constant 1 : i32
    %eq3A_66 = vector.broadcast %eq3A : i32 to vector<512x768xi32>
    %eq3A_67 = arith.cmpi eq, %iota3A, %eq3A_66 : vector<512x768xi32>
    %get3A_68 = arith.constant 0 : index
    %get3A_69 = arith.constant 0 : index
    %get3A_70 = arith.constant 0 : index
    %get3A_71 = vector.load %arg7[%get3A_68, %get3A_69, %get3A_70] : memref<1x1x768xf32, #tpu.memory_space<vmem>>, vector<1x1x768xf32>
    %get3A_72 = vector.shape_cast %get3A_71 : vector<1x1x768xf32> to vector<1x768xf32>
    %broadcast_in_dim3A_73 = vector.shape_cast %get3A_72 : vector<1x768xf32> to vector<1x768xf32>
    %broadcast_in_dim3A_74 = vector.broadcast %broadcast_in_dim3A_73 : vector<1x768xf32> to vector<512x768xf32>
    %select_n3A = arith.select %eq3A_67, %broadcast_in_dim3A_74, %mul3A_65 : vector<512x768xi1>, vector<512x768xf32>
    %swap3A = arith.constant 0 : index
    %swap3A_75 = arith.constant 0 : index
    %swap3A_76 = arith.constant 0 : index
    %swap3A_77 = vector.load %arg8[%swap3A, %swap3A_75, %swap3A_76] : memref<1x512x768xf32, #tpu.memory_space<vmem>>, vector<1x512x768xf32>
    %swap3A_78 = vector.shape_cast %swap3A_77 : vector<1x512x768xf32> to vector<512x768xf32>
    %swap3A_79 = vector.shape_cast %select_n3A : vector<512x768xf32> to vector<1x512x768xf32>
    tpu.vector_store %arg8[%swap3A, %swap3A_75, %swap3A_76], %swap3A_79 {strides = array<i32>} : memref<1x512x768xf32, #tpu.memory_space<vmem>>, vector<1x512x768xf32>,
    return
  }
  func.func @transform_0(%arg0: i32) -> (i32, i32, i32) {
    %c0_i32 = arith.constant 0 : i32
    %c0_i32_0 = arith.constant 0 : i32
    %c0_i32_1 = arith.constant 0 : i32
    return %arg0, %c0_i32, %c0_i32_0 : i32, i32, i32
  }
  func.func @transform_1(%arg0: i32) -> (i32, i32, i32) {
    %add3A = arith.constant 0 : i32
    %add3A_0 = arith.addi %arg0, %add3A : i32
    %c0_i32 = arith.constant 0 : i32
    %c0_i32_1 = arith.constant 0 : i32
    %c0_i32_2 = arith.constant 0 : i32
    return %add3A_0, %c0_i32, %c0_i32_1 : i32, i32, i32
  }
  func.func @transform_2(%arg0: i32) -> (i32, i32) {
    %c0_i32 = arith.constant 0 : i32
    %c0_i32_0 = arith.constant 0 : i32
    %c0_i32_1 = arith.constant 0 : i32
    return %c0_i32, %c0_i32_0 : i32, i32
  }
  func.func @transform_3(%arg0: i32) -> (i32, i32, i32) {
    %c0_i32 = arith.constant 0 : i32
    %c0_i32_0 = arith.constant 0 : i32
    %c0_i32_1 = arith.constant 0 : i32
    %c0_i32_2 = arith.constant 0 : i32
    return %c0_i32, %c0_i32_0, %c0_i32_1 : i32, i32, i32
  }
  func.func @transform_4(%arg0: i32) -> (i32, i32, i32) {
    %c0_i32 = arith.constant 0 : i32
    %c0_i32_0 = arith.constant 0 : i32
    %c0_i32_1 = arith.constant 0 : i32
    %c0_i32_2 = arith.constant 0 : i32
    return %c0_i32, %c0_i32_0, %c0_i32_1 : i32, i32, i32
  }
  func.func @transform_5(%arg0: i32) -> (i32, i32, i32) {
    %add3A = arith.constant 0 : i32
    %add3A_0 = arith.addi %arg0, %add3A : i32
    %c0_i32 = arith.constant 0 : i32
    %c0_i32_1 = arith.constant 0 : i32
    %c0_i32_2 = arith.constant 0 : i32
    return %add3A_0, %c0_i32, %c0_i32_1 : i32, i32, i32
  }
  func.func @transform_6(%arg0: i32) -> (i32, i32, i32) {
    %add3A = arith.constant 0 : i32
    %add3A_0 = arith.addi %arg0, %add3A : i32
    %c0_i32 = arith.constant 0 : i32
    %c0_i32_1 = arith.constant 0 : i32
    %c0_i32_2 = arith.constant 0 : i32
    return %add3A_0, %c0_i32, %c0_i32_1 : i32, i32, i32
  }
  func.func @transform_7(%arg0: i32) -> (i32, i32, i32) {
    %add3A = arith.constant 0 : i32
    %add3A_0 = arith.addi %arg0, %add3A : i32
    %c0_i32 = arith.constant 0 : i32
    %c0_i32_1 = arith.constant 0 : i32
    %c0_i32_2 = arith.constant 0 : i32
    return %add3A_0, %c0_i32, %c0_i32_1 : i32, i32, i32
  }
}

module attributes {stable_mosaic.version = 14 : i64} {
  func.func @_point_body(%arg0: i32, %arg1: memref<1x64x768xf32, #tpu.memory_space<vmem>>, %arg2: memref<1x1x64xf32, #tpu.memory_space<vmem>>, %arg3: memref<64x768xf32, #tpu.memory_space<vmem>>, %arg4: memref<1x1x768xf32, #tpu.memory_space<vmem>>, %arg5: memref<1x1x768xf32, #tpu.memory_space<vmem>>, %arg6: memref<1x1x768xf32, #tpu.memory_space<vmem>>) attributes {dimension_semantics = [#tpu.dimension_semantics<arbitrary>], iteration_bounds = array<i64: 128>, scalar_prefetch = 0 : i64, scratch_operands = 0 : i64, tpu.core_type = #tpu.core_type<tc>, window_params = [{transform_indices = @transform_0, window_bounds = array<i64: 1, 64, 768>}, {transform_indices = @transform_1, window_bounds = array<i64: 1, 1, 64>}, {pipeline_mode = #tpu.pipeline_mode<synchronous>, transform_indices = @transform_2, window_bounds = array<i64: 64, 768>}, {pipeline_mode = #tpu.pipeline_mode<synchronous>, transform_indices = @transform_3, window_bounds = array<i64: 1, 1, 768>}, {pipeline_mode = #tpu.pipeline_mode<synchronous>, transform_indices = @transform_4, window_bounds = array<i64: 1, 1, 768>}, {transform_indices = @transform_5, window_bounds = array<i64: 1, 1, 768>}]} {
    %get3A = arith.constant 0 : index
    %get3A_0 = arith.constant 0 : index
    %get3A_1 = arith.constant 0 : index
    %get3A_2 = vector.load %arg1[%get3A, %get3A_0, %get3A_1] : memref<1x64x768xf32, #tpu.memory_space<vmem>>, vector<1x64x768xf32>
    %get3A_3 = vector.shape_cast %get3A_2 : vector<1x64x768xf32> to vector<64x768xf32>
    %get3A_4 = arith.constant 0 : index
    %get3A_5 = arith.constant 0 : index
    %get3A_6 = arith.constant 0 : index
    %get3A_7 = vector.load %arg2[%get3A_4, %get3A_5, %get3A_6] : memref<1x1x64xf32, #tpu.memory_space<vmem>>, vector<1x1x64xf32>
    %get3A_8 = vector.shape_cast %get3A_7 : vector<1x1x64xf32> to vector<64xf32>
    %broadcast_in_dim3A = vector.shape_cast %get3A_8 : vector<64xf32> to vector<64x1xf32>
    %get3A_9 = arith.constant 0 : index
    %get3A_10 = arith.constant 0 : index
    %get3A_11 = vector.load %arg3[%get3A_9, %get3A_10] : memref<64x768xf32, #tpu.memory_space<vmem>>, vector<64x768xf32>
    %add3A = arith.addf %get3A_3, %get3A_11 : vector<64x768xf32>
    %get3A_12 = arith.constant 0 : index
    %get3A_13 = arith.constant 0 : index
    %get3A_14 = arith.constant 0 : index
    %get3A_15 = vector.load %arg4[%get3A_12, %get3A_13, %get3A_14] : memref<1x1x768xf32, #tpu.memory_space<vmem>>, vector<1x1x768xf32>
    %get3A_16 = vector.shape_cast %get3A_15 : vector<1x1x768xf32> to vector<1x768xf32>
    %add3A_17 = vector.broadcast %get3A_16 : vector<1x768xf32> to vector<64x768xf32>
    %add3A_18 = arith.addf %add3A, %add3A_17 : vector<64x768xf32>
    %get3A_19 = arith.constant 0 : index
    %get3A_20 = arith.constant 0 : index
    %get3A_21 = arith.constant 0 : index
    %get3A_22 = vector.load %arg5[%get3A_19, %get3A_20, %get3A_21] : memref<1x1x768xf32, #tpu.memory_space<vmem>>, vector<1x1x768xf32>
    %get3A_23 = vector.shape_cast %get3A_22 : vector<1x1x768xf32> to vector<1x768xf32>
    %mul3A = vector.broadcast %broadcast_in_dim3A : vector<64x1xf32> to vector<64x768xf32>
    %mul3A_24 = vector.broadcast %get3A_23 : vector<1x768xf32> to vector<64x768xf32>
    %mul3A_25 = arith.mulf %mul3A, %mul3A_24 : vector<64x768xf32>
    %add3A_26 = arith.addf %add3A_18, %mul3A_25 : vector<64x768xf32>
    %reduce_sum3A = arith.constant dense<0.000000e+00> : vector<64xf32>
    %reduce_sum3A_27 = vector.multi_reduction <add>, %add3A_26, %reduce_sum3A [1] : vector<64x768xf32> to vector<64xf32>
    %broadcast_in_dim3A_28 = vector.shape_cast %reduce_sum3A_27 : vector<64xf32> to vector<64x1xf32>
    %div3A = arith.constant 7.680000e+02 : f32
    %div3A_29 = vector.broadcast %div3A : f32 to vector<64x1xf32>
    %div3A_30 = arith.divf %broadcast_in_dim3A_28, %div3A_29 : vector<64x1xf32>
    %sub3A = vector.broadcast %div3A_30 : vector<64x1xf32> to vector<64x768xf32>
    %sub3A_31 = arith.subf %add3A_26, %sub3A : vector<64x768xf32>
    %integer_pow3A = arith.mulf %sub3A_31, %sub3A_31 : vector<64x768xf32>
    %reduce_sum3A_32 = arith.constant dense<0.000000e+00> : vector<64xf32>
    %reduce_sum3A_33 = vector.multi_reduction <add>, %integer_pow3A, %reduce_sum3A_32 [1] : vector<64x768xf32> to vector<64xf32>
    %broadcast_in_dim3A_34 = vector.shape_cast %reduce_sum3A_33 : vector<64xf32> to vector<64x1xf32>
    %div3A_35 = arith.constant 7.680000e+02 : f32
    %div3A_36 = vector.broadcast %div3A_35 : f32 to vector<64x1xf32>
    %div3A_37 = arith.divf %broadcast_in_dim3A_34, %div3A_36 : vector<64x1xf32>
    %sub3A_38 = vector.broadcast %div3A_30 : vector<64x1xf32> to vector<64x768xf32>
    %sub3A_39 = arith.subf %add3A_26, %sub3A_38 : vector<64x768xf32>
    %add3A_40 = arith.constant 9.99999996E-13 : f32
    %add3A_41 = vector.broadcast %add3A_40 : f32 to vector<64x1xf32>
    %add3A_42 = arith.addf %div3A_37, %add3A_41 : vector<64x1xf32>
    %rsqrt3A = math.rsqrt %add3A_42 : vector<64x1xf32>
    %mul3A_43 = vector.broadcast %rsqrt3A : vector<64x1xf32> to vector<64x768xf32>
    %mul3A_44 = arith.mulf %sub3A_39, %mul3A_43 : vector<64x768xf32>
    %reduce_sum3A_45 = arith.constant dense<0.000000e+00> : vector<768xf32>
    %reduce_sum3A_46 = vector.multi_reduction <add>, %mul3A_44, %reduce_sum3A_45 [0] : vector<64x768xf32> to vector<768xf32>
    %broadcast_in_dim3A_47 = vector.shape_cast %reduce_sum3A_46 : vector<768xf32> to vector<1x768xf32>
    %div3A_48 = arith.constant 6.400000e+01 : f32
    %div3A_49 = vector.broadcast %div3A_48 : f32 to vector<1x768xf32>
    %div3A_50 = arith.divf %broadcast_in_dim3A_47, %div3A_49 : vector<1x768xf32>
    %reduce_sum3A_51 = arith.constant dense<0.000000e+00> : vector<1xf32>
    %reduce_sum3A_52 = vector.multi_reduction <add>, %div3A_50, %reduce_sum3A_51 [1] : vector<1x768xf32> to vector<1xf32>
    %broadcast_in_dim3A_53 = vector.shape_cast %reduce_sum3A_52 : vector<1xf32> to vector<1x1xf32>
    %div3A_54 = arith.constant 7.680000e+02 : f32
    %div3A_55 = vector.broadcast %div3A_54 : f32 to vector<1x1xf32>
    %div3A_56 = arith.divf %broadcast_in_dim3A_53, %div3A_55 : vector<1x1xf32>
    %sub3A_57 = vector.broadcast %div3A_56 : vector<1x1xf32> to vector<1x768xf32>
    %sub3A_58 = arith.subf %div3A_50, %sub3A_57 : vector<1x768xf32>
    %swap3A = arith.constant 0 : index
    %swap3A_59 = arith.constant 0 : index
    %swap3A_60 = arith.constant 0 : index
    %swap3A_61 = vector.load %arg6[%swap3A, %swap3A_59, %swap3A_60] : memref<1x1x768xf32, #tpu.memory_space<vmem>>, vector<1x1x768xf32>
    %swap3A_62 = vector.shape_cast %swap3A_61 : vector<1x1x768xf32> to vector<1x768xf32>
    %swap3A_63 = vector.shape_cast %sub3A_58 : vector<1x768xf32> to vector<1x1x768xf32>
    tpu.vector_store %arg6[%swap3A, %swap3A_59, %swap3A_60], %swap3A_63 {strides = array<i32>} : memref<1x1x768xf32, #tpu.memory_space<vmem>>, vector<1x1x768xf32>,
    return
  }
  func.func @transform_0(%arg0: i32) -> (i32, i32, i32) {
    %c0_i32 = arith.constant 0 : i32
    %c0_i32_0 = arith.constant 0 : i32
    %c0_i32_1 = arith.constant 0 : i32
    return %arg0, %c0_i32, %c0_i32_0 : i32, i32, i32
  }
  func.func @transform_1(%arg0: i32) -> (i32, i32, i32) {
    %c0_i32 = arith.constant 0 : i32
    %c0_i32_0 = arith.constant 0 : i32
    %c0_i32_1 = arith.constant 0 : i32
    return %arg0, %c0_i32, %c0_i32_0 : i32, i32, i32
  }
  func.func @transform_2(%arg0: i32) -> (i32, i32) {
    %c0_i32 = arith.constant 0 : i32
    %c0_i32_0 = arith.constant 0 : i32
    %c0_i32_1 = arith.constant 0 : i32
    return %c0_i32, %c0_i32_0 : i32, i32
  }
  func.func @transform_3(%arg0: i32) -> (i32, i32, i32) {
    %c0_i32 = arith.constant 0 : i32
    %c0_i32_0 = arith.constant 0 : i32
    %c0_i32_1 = arith.constant 0 : i32
    %c0_i32_2 = arith.constant 0 : i32
    return %c0_i32, %c0_i32_0, %c0_i32_1 : i32, i32, i32
  }
  func.func @transform_4(%arg0: i32) -> (i32, i32, i32) {
    %c0_i32 = arith.constant 0 : i32
    %c0_i32_0 = arith.constant 0 : i32
    %c0_i32_1 = arith.constant 0 : i32
    %c0_i32_2 = arith.constant 0 : i32
    return %c0_i32, %c0_i32_0, %c0_i32_1 : i32, i32, i32
  }
  func.func @transform_5(%arg0: i32) -> (i32, i32, i32) {
    %c0_i32 = arith.constant 0 : i32
    %c0_i32_0 = arith.constant 0 : i32
    %c0_i32_1 = arith.constant 0 : i32
    return %arg0, %c0_i32, %c0_i32_0 : i32, i32, i32
  }
}

module attributes {stable_mosaic.version = 14 : i64} {
  func.func @_main_body_alias(%arg0: i32, %arg1: memref<1x512x768xf32, #tpu.memory_space<vmem>>, %arg2: memref<1x1x512xf32, #tpu.memory_space<vmem>>, %arg3: memref<512x768xf32, #tpu.memory_space<vmem>>, %arg4: memref<1x1x768xf32, #tpu.memory_space<vmem>>, %arg5: memref<1x1x768xf32, #tpu.memory_space<vmem>>, %arg6: memref<1x1x768xf32, #tpu.memory_space<vmem>>, %arg7: memref<1x1x768xf32, #tpu.memory_space<vmem>>, %arg8: memref<128x512x768xf32, #tpu.memory_space<any>>, %arg9: memref<1x512x768xf32, #tpu.memory_space<vmem>>) attributes {dimension_semantics = [#tpu.dimension_semantics<arbitrary>], iteration_bounds = array<i64: 88>, scalar_prefetch = 0 : i64, scratch_operands = 0 : i64, tpu.core_type = #tpu.core_type<tc>, window_params = [{transform_indices = @transform_0, window_bounds = array<i64: 1, 512, 768>}, {transform_indices = @transform_1, window_bounds = array<i64: 1, 1, 512>}, {pipeline_mode = #tpu.pipeline_mode<synchronous>, transform_indices = @transform_2, window_bounds = array<i64: 512, 768>}, {pipeline_mode = #tpu.pipeline_mode<synchronous>, transform_indices = @transform_3, window_bounds = array<i64: 1, 1, 768>}, {pipeline_mode = #tpu.pipeline_mode<synchronous>, transform_indices = @transform_4, window_bounds = array<i64: 1, 1, 768>}, {transform_indices = @transform_5, window_bounds = array<i64: 1, 1, 768>}, {transform_indices = @transform_6, window_bounds = array<i64: 1, 1, 768>}, {}, {transform_indices = @transform_8, window_bounds = array<i64: 1, 512, 768>}]} {
    %get3A = arith.constant 0 : index
    %get3A_0 = arith.constant 0 : index
    %get3A_1 = arith.constant 0 : index
    %get3A_2 = vector.load %arg1[%get3A, %get3A_0, %get3A_1] : memref<1x512x768xf32, #tpu.memory_space<vmem>>, vector<1x512x768xf32>
    %get3A_3 = vector.shape_cast %get3A_2 : vector<1x512x768xf32> to vector<512x768xf32>
    %get3A_4 = arith.constant 0 : index
    %get3A_5 = arith.constant 0 : index
    %get3A_6 = arith.constant 0 : index
    %get3A_7 = vector.load %arg2[%get3A_4, %get3A_5, %get3A_6] : memref<1x1x512xf32, #tpu.memory_space<vmem>>, vector<1x1x512xf32>
    %get3A_8 = vector.shape_cast %get3A_7 : vector<1x1x512xf32> to vector<512xf32>
    %broadcast_in_dim3A = vector.shape_cast %get3A_8 : vector<512xf32> to vector<512x1xf32>
    %get3A_9 = arith.constant 0 : index
    %get3A_10 = arith.constant 0 : index
    %get3A_11 = vector.load %arg3[%get3A_9, %get3A_10] : memref<512x768xf32, #tpu.memory_space<vmem>>, vector<512x768xf32>
    %add3A = arith.addf %get3A_3, %get3A_11 : vector<512x768xf32>
    %get3A_12 = arith.constant 0 : index
    %get3A_13 = arith.constant 0 : index
    %get3A_14 = arith.constant 0 : index
    %get3A_15 = vector.load %arg4[%get3A_12, %get3A_13, %get3A_14] : memref<1x1x768xf32, #tpu.memory_space<vmem>>, vector<1x1x768xf32>
    %get3A_16 = vector.shape_cast %get3A_15 : vector<1x1x768xf32> to vector<1x768xf32>
    %add3A_17 = vector.broadcast %get3A_16 : vector<1x768xf32> to vector<512x768xf32>
    %add3A_18 = arith.addf %add3A, %add3A_17 : vector<512x768xf32>
    %get3A_19 = arith.constant 0 : index
    %get3A_20 = arith.constant 0 : index
    %get3A_21 = arith.constant 0 : index
    %get3A_22 = vector.load %arg5[%get3A_19, %get3A_20, %get3A_21] : memref<1x1x768xf32, #tpu.memory_space<vmem>>, vector<1x1x768xf32>
    %get3A_23 = vector.shape_cast %get3A_22 : vector<1x1x768xf32> to vector<1x768xf32>
    %mul3A = vector.broadcast %broadcast_in_dim3A : vector<512x1xf32> to vector<512x768xf32>
    %mul3A_24 = vector.broadcast %get3A_23 : vector<1x768xf32> to vector<512x768xf32>
    %mul3A_25 = arith.mulf %mul3A, %mul3A_24 : vector<512x768xf32>
    %add3A_26 = arith.addf %add3A_18, %mul3A_25 : vector<512x768xf32>
    %reduce_sum3A = arith.constant dense<0.000000e+00> : vector<512xf32>
    %reduce_sum3A_27 = vector.multi_reduction <add>, %add3A_26, %reduce_sum3A [1] : vector<512x768xf32> to vector<512xf32>
    %broadcast_in_dim3A_28 = vector.shape_cast %reduce_sum3A_27 : vector<512xf32> to vector<512x1xf32>
    %div3A = arith.constant 7.680000e+02 : f32
    %div3A_29 = vector.broadcast %div3A : f32 to vector<512x1xf32>
    %div3A_30 = arith.divf %broadcast_in_dim3A_28, %div3A_29 : vector<512x1xf32>
    %mul3A_31 = arith.mulf %add3A_26, %add3A_26 : vector<512x768xf32>
    %reduce_sum3A_32 = arith.constant dense<0.000000e+00> : vector<512xf32>
    %reduce_sum3A_33 = vector.multi_reduction <add>, %mul3A_31, %reduce_sum3A_32 [1] : vector<512x768xf32> to vector<512xf32>
    %broadcast_in_dim3A_34 = vector.shape_cast %reduce_sum3A_33 : vector<512xf32> to vector<512x1xf32>
    %div3A_35 = arith.constant 7.680000e+02 : f32
    %div3A_36 = vector.broadcast %div3A_35 : f32 to vector<512x1xf32>
    %div3A_37 = arith.divf %broadcast_in_dim3A_34, %div3A_36 : vector<512x1xf32>
    %mul3A_38 = arith.mulf %div3A_30, %div3A_30 : vector<512x1xf32>
    %sub3A = arith.subf %div3A_37, %mul3A_38 : vector<512x1xf32>
    %sub3A_39 = vector.broadcast %div3A_30 : vector<512x1xf32> to vector<512x768xf32>
    %sub3A_40 = arith.subf %add3A_26, %sub3A_39 : vector<512x768xf32>
    %add3A_41 = arith.constant 9.99999996E-13 : f32
    %add3A_42 = vector.broadcast %add3A_41 : f32 to vector<512x1xf32>
    %add3A_43 = arith.addf %sub3A, %add3A_42 : vector<512x1xf32>
    %rsqrt3A = math.rsqrt %add3A_43 : vector<512x1xf32>
    %mul3A_44 = vector.broadcast %rsqrt3A : vector<512x1xf32> to vector<512x768xf32>
    %mul3A_45 = arith.mulf %sub3A_40, %mul3A_44 : vector<512x768xf32>
    %get3A_46 = arith.constant 0 : index
    %get3A_47 = arith.constant 0 : index
    %get3A_48 = arith.constant 0 : index
    %get3A_49 = vector.load %arg6[%get3A_46, %get3A_47, %get3A_48] : memref<1x1x768xf32, #tpu.memory_space<vmem>>, vector<1x1x768xf32>
    %get3A_50 = vector.shape_cast %get3A_49 : vector<1x1x768xf32> to vector<1x768xf32>
    %add3A_51 = vector.broadcast %get3A_50 : vector<1x768xf32> to vector<512x768xf32>
    %add3A_52 = arith.addf %mul3A_45, %add3A_51 : vector<512x768xf32>
    %mul3A_53 = arith.mulf %add3A_52, %add3A_52 : vector<512x768xf32>
    %reduce_sum3A_54 = arith.constant dense<0.000000e+00> : vector<512xf32>
    %reduce_sum3A_55 = vector.multi_reduction <add>, %mul3A_53, %reduce_sum3A_54 [1] : vector<512x768xf32> to vector<512xf32>
    %broadcast_in_dim3A_56 = vector.shape_cast %reduce_sum3A_55 : vector<512xf32> to vector<512x1xf32>
    %div3A_57 = arith.constant 7.680000e+02 : f32
    %div3A_58 = vector.broadcast %div3A_57 : f32 to vector<512x1xf32>
    %div3A_59 = arith.divf %broadcast_in_dim3A_56, %div3A_58 : vector<512x1xf32>
    %add3A_60 = arith.constant 9.99999974E-6 : f32
    %add3A_61 = vector.broadcast %add3A_60 : f32 to vector<512x1xf32>
    %add3A_62 = arith.addf %div3A_59, %add3A_61 : vector<512x1xf32>
    %rsqrt3A_63 = math.rsqrt %add3A_62 : vector<512x1xf32>
    %mul3A_64 = vector.broadcast %rsqrt3A_63 : vector<512x1xf32> to vector<512x768xf32>
    %mul3A_65 = arith.mulf %add3A_52, %mul3A_64 : vector<512x768xf32>
    %iota3A = tpu.iota {dimensions = array<i32: 0>} : vector<512x768xi32>
    %eq3A = arith.constant 1 : i32
    %eq3A_66 = vector.broadcast %eq3A : i32 to vector<512x768xi32>
    %eq3A_67 = arith.cmpi eq, %iota3A, %eq3A_66 : vector<512x768xi32>
    %get3A_68 = arith.constant 0 : index
    %get3A_69 = arith.constant 0 : index
    %get3A_70 = arith.constant 0 : index
    %get3A_71 = vector.load %arg7[%get3A_68, %get3A_69, %get3A_70] : memref<1x1x768xf32, #tpu.memory_space<vmem>>, vector<1x1x768xf32>
    %get3A_72 = vector.shape_cast %get3A_71 : vector<1x1x768xf32> to vector<1x768xf32>
    %broadcast_in_dim3A_73 = vector.shape_cast %get3A_72 : vector<1x768xf32> to vector<1x768xf32>
    %broadcast_in_dim3A_74 = vector.broadcast %broadcast_in_dim3A_73 : vector<1x768xf32> to vector<512x768xf32>
    %select_n3A = arith.select %eq3A_67, %broadcast_in_dim3A_74, %mul3A_65 : vector<512x768xi1>, vector<512x768xf32>
    %swap3A = arith.constant 0 : index
    %swap3A_75 = arith.constant 0 : index
    %swap3A_76 = arith.constant 0 : index
    %swap3A_77 = vector.load %arg9[%swap3A, %swap3A_75, %swap3A_76] : memref<1x512x768xf32, #tpu.memory_space<vmem>>, vector<1x512x768xf32>
    %swap3A_78 = vector.shape_cast %swap3A_77 : vector<1x512x768xf32> to vector<512x768xf32>
    %swap3A_79 = vector.shape_cast %select_n3A : vector<512x768xf32> to vector<1x512x768xf32>
    tpu.vector_store %arg9[%swap3A, %swap3A_75, %swap3A_76], %swap3A_79 {strides = array<i32>} : memref<1x512x768xf32, #tpu.memory_space<vmem>>, vector<1x512x768xf32>,
    return
  }
  func.func @transform_0(%arg0: i32) -> (i32, i32, i32) {
    %c0_i32 = arith.constant 0 : i32
    %c0_i32_0 = arith.constant 0 : i32
    %c0_i32_1 = arith.constant 0 : i32
    return %arg0, %c0_i32, %c0_i32_0 : i32, i32, i32
  }
  func.func @transform_1(%arg0: i32) -> (i32, i32, i32) {
    %add3A = arith.constant 40 : i32
    %add3A_0 = arith.addi %arg0, %add3A : i32
    %c0_i32 = arith.constant 0 : i32
    %c0_i32_1 = arith.constant 0 : i32
    %c0_i32_2 = arith.constant 0 : i32
    return %add3A_0, %c0_i32, %c0_i32_1 : i32, i32, i32
  }
  func.func @transform_2(%arg0: i32) -> (i32, i32) {
    %c0_i32 = arith.constant 0 : i32
    %c0_i32_0 = arith.constant 0 : i32
    %c0_i32_1 = arith.constant 0 : i32
    return %c0_i32, %c0_i32_0 : i32, i32
  }
  func.func @transform_3(%arg0: i32) -> (i32, i32, i32) {
    %c0_i32 = arith.constant 0 : i32
    %c0_i32_0 = arith.constant 0 : i32
    %c0_i32_1 = arith.constant 0 : i32
    %c0_i32_2 = arith.constant 0 : i32
    return %c0_i32, %c0_i32_0, %c0_i32_1 : i32, i32, i32
  }
  func.func @transform_4(%arg0: i32) -> (i32, i32, i32) {
    %c0_i32 = arith.constant 0 : i32
    %c0_i32_0 = arith.constant 0 : i32
    %c0_i32_1 = arith.constant 0 : i32
    %c0_i32_2 = arith.constant 0 : i32
    return %c0_i32, %c0_i32_0, %c0_i32_1 : i32, i32, i32
  }
  func.func @transform_5(%arg0: i32) -> (i32, i32, i32) {
    %add3A = arith.constant 40 : i32
    %add3A_0 = arith.addi %arg0, %add3A : i32
    %c0_i32 = arith.constant 0 : i32
    %c0_i32_1 = arith.constant 0 : i32
    %c0_i32_2 = arith.constant 0 : i32
    return %add3A_0, %c0_i32, %c0_i32_1 : i32, i32, i32
  }
  func.func @transform_6(%arg0: i32) -> (i32, i32, i32) {
    %add3A = arith.constant 40 : i32
    %add3A_0 = arith.addi %arg0, %add3A : i32
    %c0_i32 = arith.constant 0 : i32
    %c0_i32_1 = arith.constant 0 : i32
    %c0_i32_2 = arith.constant 0 : i32
    return %add3A_0, %c0_i32, %c0_i32_1 : i32, i32, i32
  }
  func.func @transform_8(%arg0: i32) -> (i32, i32, i32) {
    %add3A = arith.constant 40 : i32
    %add3A_0 = arith.addi %arg0, %add3A : i32
    %c0_i32 = arith.constant 0 : i32
    %c0_i32_1 = arith.constant 0 : i32
    %c0_i32_2 = arith.constant 0 : i32
    return %add3A_0, %c0_i32, %c0_i32_1 : i32, i32, i32
  }
}

</mosaic_0001>

<sc_bundles>
// kernel: kernel.11.cloned.1.call-start
scs
__scs_entry_jumppad:
0x0: {  	(pc) =	sbr.rel $0x88, $3  }
0x1: {  	(tag) =	ssettag $0x0;
	lr =	simm.s32 $0x1  }
0x2: {  	[smem:$0x3F99] =	sst lr;
	_ =	strace $0xD0000000  }
0x3: {  	_ = 	snop  }
0x4: {  	_ = 	snop  }
0x5: {  	_ = 	snop  }
0x6: {  	_ = 	snop  }
0x7: {  	_ = 	snop  }
__scs_overlays_trampoline_lowered:
0x8: {  	[smem:$0x3FA8] =	sst s0  }
0x9: {  	[smem:$0x3FA9] =	sst s1  }
0xa: {  	[smem:$0x3FAA] =	sst s2  }
0xb: {  	[smem:$0x3FAB] =	sst s3  }
0xc: {  	[smem:$0x3FAC] =	sst s4  }
0xd: {  	[smem:$0x3FAD] =	sst s5  }
0xe: {  	[smem:$0x3FAE] =	sst s6  }
0xf: {  	[smem:$0x3FAF] =	sst s7  }
0x10: {  	[smem:$0x3FB0] =	sst s8  }
0x11: {  	[smem:$0x3FB1] =	sst s9;
	s0 =	simm.s32 @!p0 $0x0  }
0x12: {  	s1 =	sld [smem:$0x3F97];
	s0 =	simm.s32 @p0 $0x1  }
0x13: {  	[smem:$0x3FB2] =	sst s0;
	s0 =	simm.s32 @!p1 $0x0  }
0x14: {  	s2 =	sld [smem:$0x3F96];
	s0 =	simm.s32 @p1 $0x1  }
0x15: {  	[smem:$0x3FB3] =	sst s0;
	s0 =	simm.s32 @!p2 $0x0  }
0x16: {  	s3 =	sld [smem:$0x3FDB];
	s0 =	simm.s32 @p2 $0x1  }
0x17: {  	s4 =	simm.s32 $0x1BF5;
	[smem:$0x3FB5] =	sst s0  }
0x18: {  	s0 =	sld [smem:$0x3F98];
	_ =	swait.ge [sflag:s4], $0x0  }
0x19: {  	s7 =	sld [smem:$0x3F99]  }
0x1a: {  	s8 =	sadd.s32 $0xFFFFE003, lr  }
0x1b: {  	s9 =	sadd.s32 $0xFFFFFEF7, lr;
	s5 =	simm.s32 $0xFFFFFFFF;
	p2 =	slt.u32 s8, $0xFFFFF086  }
0x1c: {  	p1 =	slt.u32 s9, $0xF7A;
	s5 =	simm.s32 @!p2 $0x0  }
0x1d: {  	s5 =	simm.s32 @p1 $0x1;
	p0 =	seq.s32 s7, s2  }
0x1e: {  	s7 =	smul.u32 @!p0 $0xF7A, s2;
	p2 =	seq.s32 @!p0 s5, $0x0  }
0x1f: {  	s9 =	smul.u32 $0xF7A, s1;
	s8 =	simm.s32 @!p0 $0x1BF5;
	p2 =	por !p2, p0  }
0x20: {  	[sflag:s8] =	ssyncset.s32 @!p0 $0xFFFFF086;
	s6 =	sadd.s32 @!p0 s3, s7;
	s7 =	simm.s32 @!p0 $0x108  }
0x21: {  	s3 =	sadd.s32 s3, s9;
	s6 =	sadd.s32 @!p0 $0x88, s6;
	s7 =	simm.s32 @p2 $0x1082  }
0x22: {  	[simem:s7], [sflag:s8] =	dma.local @!p0 [hbm:s6], $0xF7A  }
0x23: {  	s9 =	sor.u32 $0xD0000000, s2;
	s6 =	simm.s32 $0x108;
	_ =	swait.ge @!p0 [sflag:s8], $0x0  }
0x24: {  	s3 =	sadd.s32 $0x88, s3;
	s6 =	simm.s32 @!p1 $0x1082;
	[sflag:s4] =	ssyncset.s32 $0xFFFFF086  }
0x25: {  	[simem:s6], [sflag:s4] =	dma.local [hbm:s3], $0xF7A  }
0x26: {  	[smem:$0x3F99] =	sst s1;
	(tag) =	ssettag s2;
	_ =	strace s9  }
0x27: {  	s1 =	sld [smem:$0x3FA9]  }
0x28: {  	s2 =	sld [smem:$0x3FAA]  }
0x29: {  	s4 =	sld [smem:$0x3FAC]  }
0x2a: {  	p0 =	seq.s32 s5, $0x0;
	s5 =	sld [smem:$0x3FAD]  }
0x2b: {  	s6 =	sld [smem:$0x3FAE]  }
0x2c: {  	s7 =	sld [smem:$0x3FAF]  }
0x2d: {  	s3 =	simm.s32 $0x108;
	s8 =	sld [smem:$0x3FB0]  }
0x2e: {  	s3 =	simm.s32 @!p0 $0x1082;
	s9 =	sld [smem:$0x3FB1]  }
0x2f: {  	lr =	sadd.s32 s0, s3;
	s0 =	sld [smem:$0x3FA8]  }
0x30: {  	s3 =	sld [smem:$0x3FAB]  }
0x31: {  	[smem:$0x3FB4] =	sst s10  }
0x32: {  	s10 =	sld [smem:$0x3FB2];
	_ =	sdelay $0x3  }
0x33: {  	p0 =	seq.s32 s10, $0x1;
	s10 =	sld [smem:$0x3FB4];
	_ =	sdelay $0x3  }
0x34: {  	[smem:$0x3FB4] =	sst s10  }
0x35: {  	s10 =	sld [smem:$0x3FB3];
	_ =	sdelay $0x3  }
0x36: {  	p1 =	seq.s32 s10, $0x1;
	s10 =	sld [smem:$0x3FB4];
	_ =	sdelay $0x3  }
0x37: {  	[smem:$0x3FB4] =	sst s10  }
0x38: {  	s10 =	sld [smem:$0x3FB5]  }
0x39: {  	_ = 	snop;
	(pc) =	sbr.ind lr, $3  }
0x3a: {  	_ = 	snop  }
0x3b: {  	_ = 	snop  }
0x3c: {  	p2 =	seq.s32 s10, $0x1;
	s10 =	sld [smem:$0x3FB4]  }
0x3d: {  	_ =	shalt  }
0x3e: {  	_ =	shalt  }
0x3f: {  	_ =	shalt  }
0x40: {  	_ =	shalt  }
0x41: {  	_ =	shalt  }
0x42: {  	_ =	shalt  }
0x43: {  	_ =	shalt  }
0x44: {  	_ =	shalt  }
0x45: {  	_ =	shalt  }
0x46: {  	_ =	shalt  }
0x47: {  	_ =	shalt  }
0x48: {  	_ =	shalt  }
0x49: {  	_ =	shalt  }
0x4a: {  	_ =	shalt  }
0x4b: {  	_ =	shalt  }
0x4c: {  	_ =	shalt  }
0x4d: {  	_ =	shalt  }
0x4e: {  	_ =	shalt  }
0x4f: {  	_ =	shalt  }
0x50: {  	_ =	shalt  }
0x51: {  	_ =	shalt  }
0x52: {  	_ =	shalt  }
0x53: {  	_ =	shalt  }
0x54: {  	_ =	shalt  }
0x55: {  	_ =	shalt  }
0x56: {  	_ =	shalt  }
0x57: {  	_ =	shalt  }
0x58: {  	_ =	shalt  }
0x59: {  	_ =	shalt  }
0x5a: {  	_ =	shalt  }
0x5b: {  	_ =	shalt  }
0x5c: {  	_ =	shalt  }
0x5d: {  	_ =	shalt  }
0x5e: {  	_ =	shalt  }
0x5f: {  	_ =	shalt  }
0x60: {  	_ =	shalt  }
0x61: {  	_ =	shalt  }
0x62: {  	_ =	shalt  }
0x63: {  	_ =	shalt  }
0x64: {  	_ =	shalt  }
0x65: {  	_ =	shalt  }
0x66: {  	_ =	shalt  }
0x67: {  	_ =	shalt  }
0x68: {  	_ =	shalt  }
0x69: {  	_ =	shalt  }
0x6a: {  	_ =	shalt  }
0x6b: {  	_ =	shalt  }
0x6c: {  	_ =	shalt  }
0x6d: {  	_ =	shalt  }
0x6e: {  	_ =	shalt  }
0x6f: {  	_ =	shalt  }
0x70: {  	_ =	shalt  }
0x71: {  	_ =	shalt  }
0x72: {  	_ =	shalt  }
0x73: {  	_ =	shalt  }
0x74: {  	_ =	shalt  }
0x75: {  	_ =	shalt  }
0x76: {  	_ =	shalt  }
0x77: {  	_ =	shalt  }
0x78: {  	_ =	shalt  }
0x79: {  	_ =	shalt  }
0x7a: {  	_ =	shalt  }
0x7b: {  	_ =	shalt  }
0x7c: {  	_ =	shalt  }
0x7d: {  	_ =	shalt  }
0x7e: {  	_ =	shalt  }
0x7f: {  	_ =	shalt  }
0x80: {  	_ =	shalt  }
0x81: {  	_ =	shalt  }
0x82: {  	_ =	shalt  }
0x83: {  	_ =	shalt  }
0x84: {  	_ =	shalt  }
0x85: {  	_ =	shalt  }
0x86: {  	_ =	shalt  }
0x87: {  	_ =	shalt  }
.Lfunc_end0:
.L_simem_size_0:
called_computation.1_lowered:
.L_overlay_start_0:
0x88: {  	s2 =	sld [smem:$0x3FD9]  }
0x89: {  	s3 =	sld [smem:$0x3FFE];
	_ =	sdelay $0x1  }
0x8a: {  	s1 =	srdreg.scid  }
0x8b: {  	s0 =	sand.u32 $0x1, s1  }
0x8c: {  	s17 =	sshll.u32 s0, $0xA;
	s2 =	sadd.s32 s3, s2  }
0x8d: {  	s2 =	sadd.s32 s2, s17  }
0x8e: {  	[smem:$0x3FC0] =	sst s2  }
0x8f: {  	_ = 	snop  }
0x90: {  	s18 =	sld [smem:$0x3FC4];
	(tm) =	ssettm $0x1  }
0x91: {  	s19 =	sld [smem:$0x3FFB];
	_ =	sdelay $0x3  }
0x92: {  	_ =	strace s19  }
0x93: {  	s2 =	sld [smem:$0x3FFC];
	_ =	sdelay $0x3  }
0x94: {  	_ =	strace s2  }
0x95: {  	s2 =	sld [smem:$0x3FFD];
	_ =	sdelay $0x3  }
0x96: {  	_ =	strace s2  }
0x97: {  	_ =	strace $0x8FFFFFFF  }
0x98: {  	s20 =	sld [smem:$0x3FDB];
	_ =	sdelay $0x1  }
0x99: {  	s4 =	simm.s32 $_scs_section_size  }
0x9a: {  	s5 =	simm.s32 $_size__tile_overlayer_lowered;
	s6 =	simm.s32 $_tile_overlayer_lowered  }
0x9b: {  	s7 =	simm.s32 $0x1BFF;
	s21 =	sshll.u32 s6, $0x1;
	s4 =	sadd.s32 s4, s20  }
0x9c: {  	s22 =	simm.s32 $0x0;
	s5 =	sshll.u32 s5, $0x1;
	s6 =	sadd.s32 s21, s4  }
0x9d: {  	[timem:s22], [sflag:s7] =	dma.local [hbm:s6], s5  }
0x9e: {  	_ =	swait.ge [sflag:s7], s5  }
0x9f: {  	s5 =	ssub.s32 $0x0, s5;
	[sflag:s7] =	ssyncset.done $0x0  }
0xa0: {  	[sflag:s7] =	ssyncadd.s32 s5;
	_ =	sdelay $0x1  }
0xa1: {  	s23 =	simm.s32 $0x1B8B  }
0xa2: {  	_ =	swait.ge [sflag:s23], $0x1  }
0xa3: {  	[sflag:s23] =	ssyncset.done $0x0  }
0xa4: {  	[sflag:s23] =	ssyncadd.s32 $0xFFFFFFFF  }
0xa5: {  	s5 =	sld [smem:$0x0]  }
0xa6: {  	s6 =	sand.u32 $0xFFFFFFFE, s1  }
0xa7: {  	p0 =	sne.s32 s1, s6  }
0xa8: {  	s6 =	sshll.u32 @p0 s6, $0xE  }
0xa9: {  	s6 =	sadd.s32 @p0 $0x11B8D, s6;
	s7 =	sshll.u32 @p0 s5, $0x11  }
0xaa: {  	s6 =	sor.u32 @p0 s7, s6  }
0xab: {  	[sflag:s6] =	ssyncadd.remote.s32 @p0 $0x1;
	_ =	sdelay $0x1  }
0xac: {  	s6 =	simm.s32 @p0 $0x1B8D  }
0xad: {  	_ =	swait.eq @p0 [sflag:s6], $0x1  }
0xae: {  	[sflag:s6] =	ssyncadd.s32 @p0 $0xFFFFFFFF  }
0xaf: {  	s7 =	sshll.u32 @!p0 s1, $0xE  }
0xb0: {  	s7 =	sor.u32 @!p0 $0x4000, s7;
	s6 =	simm.s32 @!p0 $0x1B8D  }
0xb1: {  	s5 =	sshll.u32 @!p0 s5, $0x11;
	s7 =	sadd.s32 @!p0 $0x11B8D, s7;
	_ =	swait.eq @!p0 [sflag:s6], $0x1  }
0xb2: {  	s5 =	sor.u32 @!p0 s5, s7;
	[sflag:s6] =	ssyncadd.s32 @!p0 $0xFFFFFFFF  }
0xb3: {  	s25 =	simm.s32 $0x1B8E;
	s24 =	sld [smem:$0x3FFE];
	[sflag:s5] =	ssyncadd.remote.s32 @!p0 $0x1  }
0xb4: {  	s26 =	simm.s32 $execute0_lowered;
	[smem:$0x3FD2] =	sst s25  }
0xb5: {  	s6 =	sshll.u32 s26, $0x1;
	_ =	strace $0x80000049;
	[dreg:$0x1] =	wrdreg $0xFFFFFFFF  }
0xb6: {  	s28 =	simm.s32 $_size_execute0_lowered;
	s4 =	sadd.s32 s4, s6;
	[dreg:$0x0] =	wrdreg $0x0  }
0xb7: {  	s6 =	sshll.u32 s28, $0x1;
	[dreg:$0x2] =	wrdreg s4  }
0xb8: {  	[dreg:$0x3] =	wrdreg s6  }
0xb9: {  	[dreg:$0x4] =	wrdreg $0xC0  }
0xba: {  	_ =	task [dreg:s22], $0x5FFFF  }
0xbb: {  	[dreg:$0x1] =	wrdreg $0xFFFFFFFF  }
0xbc: {  	[dreg:$0x0] =	wrdreg $0x60  }
0xbd: {  	[dreg:$0x2] =	wrdreg s18  }
0xbe: {  	[dreg:$0x3] =	wrdreg s24  }
0xbf: {  	[dreg:$0x4] =	wrdreg $0xA  }
0xc0: {  	_ =	task.clear_ibuf [dreg:s22], $0x5FFFF;
	_ =	strace $0x90000049  }
0xc1: {  	s29 =	simm.s32 $0xA;
	_ =	strace $0x8000004B  }
0xc2: {  	_ =	swait.ge [sflag:s29], $0x1  }
0xc3: {  	[sflag:s29] =	ssyncadd.s32 $0xFFFFFFFF  }
0xc4: {  	_ =	strace $0x9000004B  }
0xc5: {  	_ =	sfence  }
0xc6: {  	s30 =	sld [smem:$0x0];
	_ =	sdelay $0x2  }
0xc7: {  	s31 =	sshll.u32 s1, $0xD;
	s1 =	sshrl.u32 s1, $0x2  }
0xc8: {  	s4 =	sand.u32 $0x4000, s31;
	s1 =	sadd.s32 s1, s30  }
0xc9: {  	s0 =	sor.u32 s4, s0;
	s1 =	sshll.u32 s1, $0x11  }
0xca: {  	s0 =	sor.u32 s1, s0  }
0xcb: {  	s0 =	sadd.s32 $0x8F2B, s0  }
0xcc: {  	[sflag:s0] =	ssyncadd.remote.s32 $0x1  }
0xcd: {  	_ =	sfence.sel $0xFFFF  }
0xce: {  	[dreg:$0x0] =	wrdreg $0xFFFFFFFF;
	(pc) =	sbr.abs _section_cstart, $3  }
0xcf: {  	[dreg:$0x1] =	wrdreg $0xFFFFFFFF  }
0xd0: {  	_ =	task.clear_ibuf [dreg:s22], $0x2FFFF;
	_ =	strace $0x9FFFFFFF  }
0xd1: {  	(tm) =	ssettm $0x7FFFFFFF  }
tec
execute0_lowered:
.L_overlay_start_1:
0x0: {  	(tag) =	ssettag $0x1  }
0x1: {  	s1 =	srdreg.scid;
	s0 =	stileid.u32  }
0x2: {  	s1 =	sand.u32 $0x1, s1;
	s3 =	smul.u32 $0x500, s0  }
0x3: {  	s4 =	smul.u32 $0x280, s1  }
0x4: {  	s2 =	rddreg [dreg:$0x0]  }
0x5: {  	s5 =	rddreg [dreg:$0x1];
	s4 =	sadd.s32 s4, s3;
	s3 =	simm.s32 $0x0  }
0x6: {  	s19 =	simm.s32 $0x900;
	[smem:$0x7FF] =	sst s3  }
0x7: {  	s20 =	simm.s32 $0x1100;
	_ =	strace $0x8000004A;
	[dreg:$0x4] =	wrdreg s19  }
0x8: {  	s21 =	simm.s32 $0x1900;
	[dreg:$0x5] =	wrdreg s20  }
0x9: {  	s22 =	simm.s32 $0x2100;
	[dreg:$0x6] =	wrdreg s21  }
0xa: {  	s23 =	simm.s32 $0x2900;
	[dreg:$0x7] =	wrdreg s22  }
0xb: {  	s24 =	simm.s32 $0x3100;
	[dreg:$0x8] =	wrdreg s23  }
0xc: {  	s25 =	simm.s32 $0x3900;
	[dreg:$0x9] =	wrdreg s24  }
0xd: {  	s26 =	simm.s32 $0x4100;
	[dreg:$0xa] =	wrdreg s25  }
0xe: {  	s30 =	simm.s32 $0x4900;
	[dreg:$0xb] =	wrdreg s26  }
0xf: {  	s31 =	simm.s32 $0x5100;
	[dreg:$0xc] =	wrdreg s30  }
0x10: {  	s0 =	simm.s32 $0x5900;
	[dreg:$0xd] =	wrdreg s31  }
0x11: {  	s7 =	simm.s32 $0x6100;
	[dreg:$0xe] =	wrdreg s0  }
0x12: {  	s8 =	simm.s32 $0x6900;
	[dreg:$0xf] =	wrdreg s7  }
0x13: {  	s9 =	simm.s32 $0x7100;
	[dreg:$0x10] =	wrdreg s8  }
0x14: {  	s10 =	simm.s32 $0x7900;
	[dreg:$0x11] =	wrdreg s9  }
0x15: {  	s11 =	simm.s32 $0x8100;
	[dreg:$0x12] =	wrdreg s10  }
0x16: {  	s12 =	simm.s32 $0x8900;
	[dreg:$0x13] =	wrdreg s11  }
0x17: {  	s13 =	simm.s32 $0x9100;
	s14 =	simm.s32 $0x9900;
	[dreg:$0x14] =	wrdreg s12  }
0x18: {  	s15 =	simm.s32 $0xA100;
	s16 =	simm.s32 $0xA900;
	[dreg:$0x15] =	wrdreg s13  }
0x19: {  	s17 =	simm.s32 $0xB100;
	s18 =	simm.s32 $0xB900;
	[dreg:$0x16] =	wrdreg s14  }
0x1a: {  	s28 =	simm.s32 $0x2;
	s29 =	simm.s32 $0x0;
	[dreg:$0x17] =	wrdreg s15  }
0x1b: {  	s1 =	ssub.s32 $0x2, s1;
	s4 =	sshrl.u32 s4, $0x3;
	[dreg:$0x18] =	wrdreg s16  }
0x1c: {  	s6 =	sadd.s32 s4, s5;
	s4 =	smul.u32 $0x300, s4;
	[dreg:$0x19] =	wrdreg s17  }
0x1d: {  	[dreg:$0x1a] =	wrdreg s18;
	s19 =	simm.s32 $0x80;
	s20 =	simm.s32 $0xC900  }
0x1e: {  	s21 =	sshrl.u32 s1, $0x1;
	s22 =	simm.s32 $0xD100;
	s23 =	simm.s32 $0xD900  }
0x1f: {  	s24 =	simm.s32 $0xE100;
	s8 =	simm.s32 $0xE900;
	[dreg:$0x1b] =	wrdreg s19  }
0x20: {  	s26 =	simm.s32 $0xF100;
	s30 =	simm.s32 $0xF900;
	[dreg:$0x1c] =	wrdreg s20  }
0x21: {  	s31 =	simm.s32 $0x10100;
	s9 =	simm.s32 $0x100;
	[dreg:$0x1d] =	wrdreg s22  }
0x22: {  	s10 =	simm.s32 $0xC100;
	s11 =	simm.s32 $0x10900;
	[dreg:$0x1e] =	wrdreg s23  }
0x23: {  	s12 =	simm.s32 $0x11100;
	s13 =	simm.s32 $0x11900;
	[dreg:$0x1f] =	wrdreg s24  }
0x24: {  	s14 =	simm.s32 $0x12100;
	s15 =	simm.s32 $0x12900;
	[smem:$0x7FA] =	sst s8  }
0x25: {  	s16 =	simm.s32 $0x13100;
	s17 =	simm.s32 $0x13900;
	[smem:$0x7FB] =	sst s26  }
0x26: {  	s18 =	simm.s32 $0x14100;
	s6 =	sadd.s32 $0x1C00, s6;
	[smem:$0x7FC] =	sst s30  }
0x27: {  	s1 =	ssub.s32 s1, s21;
	s8 =	simm.s32 $0x3;
	[smem:$0x7FD] =	sst s31  }
0x28: {  	s19 =	simm.s32 $0x14900;
	s20 =	simm.s32 $0x15100;
	s21 =	simm.s32 $0x15900  }
0x29: {  	s22 =	simm.s32 $0x16100;
	s23 =	simm.s32 $0x16900;
	s24 =	simm.s32 $0x17100  }
0x2a: {  	v2 =	vlaneseq.u32;
	s26 =	simm.s32 $0x1;
	[dreg:$0x3] =	wrdreg s6;
	s7 =	sadd.s32 s4, s5  }
0x2b: {  	vm0 =	vmmov $0xffff;
	v1 =	vshrl.u32 v2, $0x3;
	s4 =	sadd.s32 $0x100, s2;
	s5 =	sadd.s32 $0x200, s2;
	s25 =	smax.u32 s1, $0x1  }
0x2c: {  	v0 =	vand.u32 $0x7, v2;
	v2 =	vor.u32 $0x8, v2;
	v1 =	vmul.u32 $0x8, v1;
	[smem:$0x7F9] =	sst s25;
	s7 =	sadd.s32 $0x3E00, s7;
	s25 =	simm.s32 $0x17900  }
.LBB2_1:
0x2d: {  	s30 =	smov.u32 s7;
	s31 =	simm.s32 $0x0  }
.LBB2_2:
0x2e: {  	s1 =	rddreg [dreg:$0x3]  }
0x2f: {  	s1 =	sadd.s32 s31, s1  }
0x30: {  	[tilespmem:s3], [sflag:$0x3] =	stream.linear.gather [hbm4b:s1+s3], $0x40, $0x38;
	[tilespmem:$0x18100] =	vst v63  }
0x31: {  	_ =	swait.ge [sflag:s8], $0x40  }
0x32: {  	[sflag:s8] =	ssyncset.done $0x0  }
0x33: {  	[sflag:s8] =	ssyncadd.s32 $0xFFFFFFC0  }
0x34: {  	v3 =	vld [tilespmem:$0x0];
	_ =	sdelay $0x4  }
0x35: {  	v4 =	vshrl.u32 v3, $0x3  }
0x36: {  	v4 =	vmul.u32 $0x30, v4  }
0x37: {  	v3 =	vand.u32 $0x7, v3  }
0x38: {  	v3 =	vor.u32 v3, v4  }
0x39: {  	v4 =	vperm.xlane v3, v0;
	_ =	sdelay $0x1  }
0x3a: {  	v4 =	vadd.s32 v1, v4;
	_ =	sdelay $0x3  }
0x3b: {  	v3 =	vperm.xlane v3, v2  }
0x3c: {  	[tilespmem:s9], [sflag:$0x1] =	stream.indirect_vreg.gather [hbm4b:s2+s3], $0x80, v4, vm0, $0xb8;
	[tilespmem:$0x18100] =	vst v63  }
0x3d: {  	s0 =	rddreg [dreg:$0x4];
	v3 =	vadd.s32 v1, v3  }
0x3e: {  	[tilespmem:s0], [sflag:$0x1] =	stream.indirect_vreg.gather [hbm4b:s4+s3], $0x80, v4, vm0, $0xb8;
	[tilespmem:$0x18100] =	vst v63  }
0x3f: {  	s6 =	rddreg [dreg:$0x5]  }
0x40: {  	[tilespmem:s6], [sflag:$0x1] =	stream.indirect_vreg.gather [hbm4b:s5+s3], $0x80, v4, vm0, $0xb8;
	[tilespmem:$0x18100] =	vst v63  }
0x41: {  	s0 =	rddreg [dreg:$0x6]  }
0x42: {  	[tilespmem:s0], [sflag:$0x1] =	stream.indirect_vreg.gather [hbm4b:s2+s3], $0x80, v3, vm0, $0xb8;
	[tilespmem:$0x18100] =	vst v63  }
0x43: {  	s6 =	rddreg [dreg:$0x7]  }
0x44: {  	[tilespmem:s6], [sflag:$0x1] =	stream.indirect_vreg.gather [hbm4b:s4+s3], $0x80, v3, vm0, $0xb8;
	[tilespmem:$0x18100] =	vst v63  }
0x45: {  	s0 =	rddreg [dreg:$0x8]  }
0x46: {  	[tilespmem:s0], [sflag:$0x1] =	stream.indirect_vreg.gather [hbm4b:s5+s3], $0x80, v3, vm0, $0xb8;
	[tilespmem:$0x18100] =	vst v63  }
0x47: {  	v3 =	vld [tilespmem:$0x10];
	_ =	sdelay $0x4  }
0x48: {  	v57 =	vshrl.u32 v3, $0x3  }
0x49: {  	v4 =	vmul.u32 $0x30, v57  }
0x4a: {  	v3 =	vand.u32 $0x7, v3  }
0x4b: {  	v3 =	vor.u32 v3, v4  }
0x4c: {  	v4 =	vperm.xlane v3, v0;
	_ =	sdelay $0x1  }
0x4d: {  	v4 =	vadd.s32 v1, v4;
	_ =	sdelay $0x3  }
0x4e: {  	s0 =	rddreg [dreg:$0x9];
	v3 =	vperm.xlane v3, v2  }
0x4f: {  	[tilespmem:s0], [sflag:$0x1] =	stream.indirect_vreg.gather [hbm4b:s2+s3], $0x80, v4, vm0, $0xb8;
	[tilespmem:$0x18100] =	vst v63  }
0x50: {  	s6 =	rddreg [dreg:$0xa];
	v3 =	vadd.s32 v1, v3  }
0x51: {  	[tilespmem:s6], [sflag:$0x1] =	stream.indirect_vreg.gather [hbm4b:s4+s3], $0x80, v4, vm0, $0xb8;
	[tilespmem:$0x18100] =	vst v63  }
0x52: {  	s0 =	rddreg [dreg:$0xb]  }
0x53: {  	[tilespmem:s0], [sflag:$0x1] =	stream.indirect_vreg.gather [hbm4b:s5+s3], $0x80, v4, vm0, $0xb8;
	[tilespmem:$0x18100] =	vst v63  }
0x54: {  	s6 =	rddreg [dreg:$0xc]  }
0x55: {  	[tilespmem:s6], [sflag:$0x1] =	stream.indirect_vreg.gather [hbm4b:s2+s3], $0x80, v3, vm0, $0xb8;
	[tilespmem:$0x18100] =	vst v63  }
0x56: {  	s0 =	rddreg [dreg:$0xd]  }
0x57: {  	[tilespmem:s0], [sflag:$0x1] =	stream.indirect_vreg.gather [hbm4b:s4+s3], $0x80, v3, vm0, $0xb8;
	[tilespmem:$0x18100] =	vst v63  }
0x58: {  	s6 =	rddreg [dreg:$0xe]  }
0x59: {  	[tilespmem:s6], [sflag:$0x1] =	stream.indirect_vreg.gather [hbm4b:s5+s3], $0x80, v3, vm0, $0xb8;
	[tilespmem:$0x18100] =	vst v63  }
0x5a: {  	v3 =	vld [tilespmem:$0x20];
	_ =	sdelay $0x4  }
0x5b: {  	v58 =	vshrl.u32 v3, $0x3  }
0x5c: {  	v4 =	vmul.u32 $0x30, v58  }
0x5d: {  	v3 =	vand.u32 $0x7, v3  }
0x5e: {  	v3 =	vor.u32 v3, v4  }
0x5f: {  	v4 =	vperm.xlane v3, v0;
	_ =	sdelay $0x1  }
0x60: {  	v4 =	vadd.s32 v1, v4;
	_ =	sdelay $0x3  }
0x61: {  	s0 =	rddreg [dreg:$0xf];
	v3 =	vperm.xlane v3, v2  }
0x62: {  	[tilespmem:s0], [sflag:$0x1] =	stream.indirect_vreg.gather [hbm4b:s2+s3], $0x80, v4, vm0, $0xb8;
	[tilespmem:$0x18100] =	vst v63  }
0x63: {  	s6 =	rddreg [dreg:$0x10];
	v3 =	vadd.s32 v1, v3  }
0x64: {  	[tilespmem:s6], [sflag:$0x1] =	stream.indirect_vreg.gather [hbm4b:s4+s3], $0x80, v4, vm0, $0xb8;
	[tilespmem:$0x18100] =	vst v63  }
0x65: {  	s0 =	rddreg [dreg:$0x11]  }
0x66: {  	[tilespmem:s0], [sflag:$0x1] =	stream.indirect_vreg.gather [hbm4b:s5+s3], $0x80, v4, vm0, $0xb8;
	[tilespmem:$0x18100] =	vst v63  }
0x67: {  	s6 =	rddreg [dreg:$0x12]  }
0x68: {  	[tilespmem:s6], [sflag:$0x1] =	stream.indirect_vreg.gather [hbm4b:s2+s3], $0x80, v3, vm0, $0xb8;
	[tilespmem:$0x18100] =	vst v63  }
0x69: {  	s0 =	rddreg [dreg:$0x13]  }
0x6a: {  	[tilespmem:s0], [sflag:$0x1] =	stream.indirect_vreg.gather [hbm4b:s4+s3], $0x80, v3, vm0, $0xb8;
	[tilespmem:$0x18100] =	vst v63  }
0x6b: {  	s6 =	rddreg [dreg:$0x14]  }
0x6c: {  	[tilespmem:s6], [sflag:$0x1] =	stream.indirect_vreg.gather [hbm4b:s5+s3], $0x80, v3, vm0, $0xb8;
	[tilespmem:$0x18100] =	vst v63  }
0x6d: {  	v3 =	vld [tilespmem:$0x30];
	_ =	sdelay $0x4  }
0x6e: {  	v59 =	vshrl.u32 v3, $0x3  }
0x6f: {  	v4 =	vmul.u32 $0x30, v59  }
0x70: {  	v3 =	vand.u32 $0x7, v3  }
0x71: {  	v3 =	vor.u32 v3, v4  }
0x72: {  	v4 =	vperm.xlane v3, v0;
	_ =	sdelay $0x1  }
0x73: {  	v4 =	vadd.s32 v1, v4;
	_ =	sdelay $0x3  }
0x74: {  	s0 =	rddreg [dreg:$0x15];
	v3 =	vperm.xlane v3, v2  }
0x75: {  	[tilespmem:s0], [sflag:$0x1] =	stream.indirect_vreg.gather [hbm4b:s2+s3], $0x80, v4, vm0, $0xb8;
	[tilespmem:$0x18100] =	vst v63  }
0x76: {  	s6 =	rddreg [dreg:$0x16];
	v3 =	vadd.s32 v1, v3  }
0x77: {  	[tilespmem:s6], [sflag:$0x1] =	stream.indirect_vreg.gather [hbm4b:s4+s3], $0x80, v4, vm0, $0xb8;
	[tilespmem:$0x18100] =	vst v63  }
0x78: {  	s0 =	rddreg [dreg:$0x17]  }
0x79: {  	[tilespmem:s0], [sflag:$0x1] =	stream.indirect_vreg.gather [hbm4b:s5+s3], $0x80, v4, vm0, $0xb8;
	[tilespmem:$0x18100] =	vst v63  }
0x7a: {  	s6 =	rddreg [dreg:$0x18]  }
0x7b: {  	[tilespmem:s6], [sflag:$0x1] =	stream.indirect_vreg.gather [hbm4b:s2+s3], $0x80, v3, vm0, $0xb8;
	[tilespmem:$0x18100] =	vst v63  }
0x7c: {  	s0 =	rddreg [dreg:$0x19]  }
0x7d: {  	[tilespmem:s0], [sflag:$0x1] =	stream.indirect_vreg.gather [hbm4b:s4+s3], $0x80, v3, vm0, $0xb8;
	[tilespmem:$0x18100] =	vst v63  }
0x7e: {  	s6 =	rddreg [dreg:$0x1a]  }
0x7f: {  	[tilespmem:s6], [sflag:$0x1] =	stream.indirect_vreg.gather [hbm4b:s5+s3], $0x80, v3, vm0, $0xb8;
	[tilespmem:$0x18100] =	vst v63  }
0x80: {  	s1 =	sadd.s32 $0x8, s1;
	s0 =	rddreg [dreg:$0x1b]  }
0x81: {  	[tilespmem:s0], [sflag:$0x3] =	stream.linear.gather [hbm4b:s1+s3], $0x40, $0x38;
	[tilespmem:$0x18100] =	vst v63  }
0x82: {  	_ =	swait.ge [sflag:s8], $0x40  }
0x83: {  	[sflag:s8] =	ssyncset.done $0x0  }
0x84: {  	[sflag:s8] =	ssyncadd.s32 $0xFFFFFFC0  }
0x85: {  	v3 =	vld [tilespmem:$0x80];
	_ =	sdelay $0x4  }
0x86: {  	v60 =	vshrl.u32 v3, $0x3  }
0x87: {  	v4 =	vmul.u32 $0x30, v60  }
0x88: {  	v3 =	vand.u32 $0x7, v3  }
0x89: {  	v3 =	vor.u32 v3, v4  }
0x8a: {  	v4 =	vperm.xlane v3, v0;
	_ =	sdelay $0x1  }
0x8b: {  	v4 =	vadd.s32 v1, v4;
	_ =	sdelay $0x3  }
0x8c: {  	s6 =	rddreg [dreg:$0x1c];
	v3 =	vperm.xlane v3, v2  }
0x8d: {  	[tilespmem:s10], [sflag:$0x2] =	stream.indirect_vreg.gather [hbm4b:s2+s3], $0x80, v4, vm0, $0xb8;
	[tilespmem:$0x18100] =	vst v63  }
0x8e: {  	s1 =	rddreg [dreg:$0x1d];
	v3 =	vadd.s32 v1, v3  }
0x8f: {  	[tilespmem:s6], [sflag:$0x2] =	stream.indirect_vreg.gather [hbm4b:s4+s3], $0x80, v4, vm0, $0xb8;
	[tilespmem:$0x18100] =	vst v63  }
0x90: {  	s6 =	rddreg [dreg:$0x1e]  }
0x91: {  	[tilespmem:s1], [sflag:$0x2] =	stream.indirect_vreg.gather [hbm4b:s5+s3], $0x80, v4, vm0, $0xb8;
	[tilespmem:$0x18100] =	vst v63  }
0x92: {  	s1 =	rddreg [dreg:$0x1f]  }
0x93: {  	[tilespmem:s6], [sflag:$0x2] =	stream.indirect_vreg.gather [hbm4b:s2+s3], $0x80, v3, vm0, $0xb8;
	[tilespmem:$0x18100] =	vst v63  }
0x94: {  	s6 =	sld [smem:$0x7FA]  }
0x95: {  	[tilespmem:s1], [sflag:$0x2] =	stream.indirect_vreg.gather [hbm4b:s4+s3], $0x80, v3, vm0, $0xb8;
	[tilespmem:$0x18100] =	vst v63  }
0x96: {  	_ = 	snop  }
0x97: {  	[tilespmem:s6], [sflag:$0x2] =	stream.indirect_vreg.gather [hbm4b:s5+s3], $0x80, v3, vm0, $0xb8;
	[tilespmem:$0x18100] =	vst v63  }
0x98: {  	v3 =	vld [tilespmem:$0x90];
	_ =	sdelay $0x4  }
0x99: {  	v61 =	vshrl.u32 v3, $0x3  }
0x9a: {  	v4 =	vmul.u32 $0x30, v61  }
0x9b: {  	v3 =	vand.u32 $0x7, v3  }
0x9c: {  	v3 =	vor.u32 v3, v4  }
0x9d: {  	v4 =	vperm.xlane v3, v0;
	_ =	sdelay $0x1  }
0x9e: {  	v4 =	vadd.s32 v1, v4;
	_ =	sdelay $0x1  }
0x9f: {  	s6 =	sld [smem:$0x7FB];
	_ =	sdelay $0x1  }
0xa0: {  	s1 =	sld [smem:$0x7FC];
	v3 =	vperm.xlane v3, v2  }
0xa1: {  	[tilespmem:s6], [sflag:$0x2] =	stream.indirect_vreg.gather [hbm4b:s2+s3], $0x80, v4, vm0, $0xb8;
	[tilespmem:$0x18100] =	vst v63  }
0xa2: {  	v3 =	vadd.s32 v1, v3;
	s6 =	sld [smem:$0x7FD]  }
0xa3: {  	[tilespmem:s1], [sflag:$0x2] =	stream.indirect_vreg.gather [hbm4b:s4+s3], $0x80, v4, vm0, $0xb8;
	[tilespmem:$0x18100] =	vst v63  }
0xa4: {  	_ = 	snop  }
0xa5: {  	[tilespmem:s6], [sflag:$0x2] =	stream.indirect_vreg.gather [hbm4b:s5+s3], $0x80, v4, vm0, $0xb8;
	[tilespmem:$0x18100] =	vst v63  }
0xa6: {  	_ = 	snop  }
0xa7: {  	[tilespmem:s11], [sflag:$0x2] =	stream.indirect_vreg.gather [hbm4b:s2+s3], $0x80, v3, vm0, $0xb8;
	[tilespmem:$0x18100] =	vst v63  }
0xa8: {  	_ = 	snop  }
0xa9: {  	[tilespmem:s12], [sflag:$0x2] =	stream.indirect_vreg.gather [hbm4b:s4+s3], $0x80, v3, vm0, $0xb8;
	[tilespmem:$0x18100] =	vst v63  }
0xaa: {  	_ = 	snop  }
0xab: {  	[tilespmem:s13], [sflag:$0x2] =	stream.indirect_vreg.gather [hbm4b:s5+s3], $0x80, v3, vm0, $0xb8;
	[tilespmem:$0x18100] =	vst v63  }
0xac: {  	v3 =	vld [tilespmem:$0xA0];
	_ =	sdelay $0x4  }
0xad: {  	v62 =	vshrl.u32 v3, $0x3  }
0xae: {  	v4 =	vmul.u32 $0x30, v62  }
0xaf: {  	v3 =	vand.u32 $0x7, v3  }
0xb0: {  	v3 =	vor.u32 v3, v4  }
0xb1: {  	v4 =	vperm.xlane v3, v0;
	_ =	sdelay $0x1  }
0xb2: {  	v4 =	vadd.s32 v1, v4;
	_ =	sdelay $0x3  }
0xb3: {  	v3 =	vperm.xlane v3, v2  }
0xb4: {  	[tilespmem:s14], [sflag:$0x2] =	stream.indirect_vreg.gather [hbm4b:s2+s3], $0x80, v4, vm0, $0xb8;
	[tilespmem:$0x18100] =	vst v63  }
0xb5: {  	v3 =	vadd.s32 v1, v3  }
0xb6: {  	[tilespmem:s15], [sflag:$0x2] =	stream.indirect_vreg.gather [hbm4b:s4+s3], $0x80, v4, vm0, $0xb8;
	[tilespmem:$0x18100] =	vst v63  }
0xb7: {  	_ = 	snop  }
0xb8: {  	[tilespmem:s16], [sflag:$0x2] =	stream.indirect_vreg.gather [hbm4b:s5+s3], $0x80, v4, vm0, $0xb8;
	[tilespmem:$0x18100] =	vst v63  }
0xb9: {  	_ = 	snop  }
0xba: {  	[tilespmem:s17], [sflag:$0x2] =	stream.indirect_vreg.gather [hbm4b:s2+s3], $0x80, v3, vm0, $0xb8;
	[tilespmem:$0x18100] =	vst v63  }
0xbb: {  	_ = 	snop  }
0xbc: {  	[tilespmem:s18], [sflag:$0x2] =	stream.indirect_vreg.gather [hbm4b:s4+s3], $0x80, v3, vm0, $0xb8;
	[tilespmem:$0x18100] =	vst v63  }
0xbd: {  	_ = 	snop  }
0xbe: {  	[tilespmem:s19], [sflag:$0x2] =	stream.indirect_vreg.gather [hbm4b:s5+s3], $0x80, v3, vm0, $0xb8;
	[tilespmem:$0x18100] =	vst v63  }
0xbf: {  	v3 =	vld [tilespmem:$0xB0];
	_ =	sdelay $0x4  }
0xc0: {  	v63 =	vshrl.u32 v3, $0x3  }
0xc1: {  	v4 =	vmul.u32 $0x30, v63  }
0xc2: {  	v3 =	vand.u32 $0x7, v3  }
0xc3: {  	v3 =	vor.u32 v3, v4  }
0xc4: {  	v4 =	vperm.xlane v3, v0;
	_ =	sdelay $0x1  }
0xc5: {  	v4 =	vadd.s32 v1, v4;
	_ =	sdelay $0x3  }
0xc6: {  	v3 =	vperm.xlane v3, v2  }
0xc7: {  	[tilespmem:s20], [sflag:$0x2] =	stream.indirect_vreg.gather [hbm4b:s2+s3], $0x80, v4, vm0, $0xb8;
	[tilespmem:$0x18100] =	vst v63  }
0xc8: {  	v3 =	vadd.s32 v1, v3  }
0xc9: {  	[tilespmem:s21], [sflag:$0x2] =	stream.indirect_vreg.gather [hbm4b:s4+s3], $0x80, v4, vm0, $0xb8;
	[tilespmem:$0x18100] =	vst v63  }
0xca: {  	_ = 	snop  }
0xcb: {  	[tilespmem:s22], [sflag:$0x2] =	stream.indirect_vreg.gather [hbm4b:s5+s3], $0x80, v4, vm0, $0xb8;
	[tilespmem:$0x18100] =	vst v63  }
0xcc: {  	_ = 	snop  }
0xcd: {  	[tilespmem:s23], [sflag:$0x2] =	stream.indirect_vreg.gather [hbm4b:s2+s3], $0x80, v3, vm0, $0xb8;
	[tilespmem:$0x18100] =	vst v63  }
0xce: {  	_ = 	snop  }
0xcf: {  	[tilespmem:s24], [sflag:$0x2] =	stream.indirect_vreg.gather [hbm4b:s4+s3], $0x80, v3, vm0, $0xb8;
	[tilespmem:$0x18100] =	vst v63  }
0xd0: {  	_ = 	snop  }
0xd1: {  	[tilespmem:s25], [sflag:$0x2] =	stream.indirect_vreg.gather [hbm4b:s5+s3], $0x80, v3, vm0, $0xb8;
	[tilespmem:$0x18100] =	vst v63  }
0xd2: {  	_ =	swait.ge [sflag:s26], $0xC000  }
0xd3: {  	[sflag:s26] =	ssyncset.done $0x0  }
0xd4: {  	s6 =	sadd.s32 $0xFFFFE800, s30;
	[sflag:s26] =	ssyncadd.s32 $0xFFFF4000  }
0xd5: {  	[hbm4b:s6+s3] =	stream.linear.scatter [tilespmem:s9], [sflag:$0x3], $0xC000, $0x38;
	[tilespmem:$0x18100] =	vst v63  }
0xd6: {  	_ =	swait.ge [sflag:s8], $0xC000  }
0xd7: {  	[sflag:s8] =	ssyncset.done $0x0  }
0xd8: {  	[sflag:s8] =	ssyncadd.s32 $0xFFFF4000  }
0xd9: {  	_ =	swait.ge [sflag:s28], $0xC000  }
0xda: {  	p0 =	sne.s32 s31, $0x40;
	[sflag:s28] =	ssyncset.done $0x0  }
.Ltmp0:
0xdb: {  	[sflag:s28] =	ssyncadd.s32 $0xFFFF4000;
	(pc) =	sbr.rel @p0 .LBB2_2-.Ltmp0, $4  }
0xdc: {  	[hbm4b:s30+s3] =	stream.linear.scatter [tilespmem:s10], [sflag:$0x3], $0xC000, $0x38;
	[tilespmem:$0x18100] =	vst v63  }
0xdd: {  	_ =	swait.ge [sflag:s8], $0xC000  }
0xde: {  	[sflag:s8] =	ssyncset.done $0x0  }
0xdf: {  	s31 =	sadd.s32 $0x10, s31;
	s30 =	sadd.s32 $0x3000, s30;
	[sflag:s8] =	ssyncadd.s32 $0xFFFF4000  }
0xe0: {  	s0 =	sld [smem:$0x7F9];
	_ =	sdelay $0x1  }
0xe1: {  	s29 =	sadd.s32 $0x1, s29  }
0xe2: {  	p0 =	sne.s32 s29, s0  }
.Ltmp1:
0xe3: {  	_ = 	snop;
	(pc) =	sbr.rel @p0 .LBB2_1-.Ltmp1, $1  }
0xe4: {  	_ =	sdelay $0x3  }
0xe5: {  	_ =	sfence.sel $0x180000  }
0xe6: {  	[bflag:$0x0] =	sbarrier.arrive $0xFFFF  }
0xe7: {  	_ =	strace $0x9000004A  }
0xe8: {  	s0 =	stileid.u32;
	[bflag:$0x2] =	sbarrier.arrive $0xFFFF  }
0xe9: {  	p0 =	sne.s32 s0, $0x0;
	s0 =	rddreg [dreg:$0x2]  }
0xea: {  	s0 =	sadd.s32 @!p0 $0x100000, s0  }
0xeb: {  	[sflag:s0] =	ssyncadd.tile.s32 @!p0 $0x1;
	_ =	shalt  }
.Lfunc_end2:
_tile_overlayer_lowered:
.L_overlay_start_2:
0xec: {  	(tag) =	ssettag $0x2  }
0xed: {  	s0 =	rddreg [dreg:$0x0];
	s2 =	stileid.u32  }
0xee: {  	s1 =	rddreg [dreg:$0x1];
	p0 =	sne.s32 s2, $0x0  }
0xef: {  	s3 =	rddreg [dreg:$0x2];
	[bflag:$0x3] =	sbarrier.arrive $0xFFFF;
	s2 =	simm.s32 @!p0 $0x1C03  }
0xf0: {  	[timem:s3], [sflag:s2] =	dma.local @!p0 [hbm:s0], s1  }
0xf1: {  	s0 =	simm.s32 @!p0 $0x3  }
0xf2: {  	_ =	swait.ge @!p0 [sflag:s0], s1  }
0xf3: {  	s1 =	ssub.s32 @!p0 $0x0, s1;
	[sflag:s0] =	ssyncset.done @!p0 $0x0  }
0xf4: {  	[sflag:s0] =	ssyncadd.s32 @!p0 s1  }
0xf5: {  	[bflag:$0x3] =	sbarrier.arrive $0xFFFF  }
0xf6: {  	_ =	shalt  }

// kernel: kernel.14.cloned.1.call-start
scs
__scs_entry_jumppad:
0x0: {  	(pc) =	sbr.rel $0x88, $3  }
0x1: {  	(tag) =	ssettag $0x0;
	lr =	simm.s32 $0x1  }
0x2: {  	[smem:$0x3F99] =	sst lr;
	_ =	strace $0xD0000000  }
0x3: {  	_ = 	snop  }
0x4: {  	_ = 	snop  }
0x5: {  	_ = 	snop  }
0x6: {  	_ = 	snop  }
0x7: {  	_ = 	snop  }
__scs_overlays_trampoline_lowered:
0x8: {  	[smem:$0x3FA8] =	sst s0  }
0x9: {  	[smem:$0x3FA9] =	sst s1  }
0xa: {  	[smem:$0x3FAA] =	sst s2  }
0xb: {  	[smem:$0x3FAB] =	sst s3  }
0xc: {  	[smem:$0x3FAC] =	sst s4  }
0xd: {  	[smem:$0x3FAD] =	sst s5  }
0xe: {  	[smem:$0x3FAE] =	sst s6  }
0xf: {  	[smem:$0x3FAF] =	sst s7  }
0x10: {  	[smem:$0x3FB0] =	sst s8  }
0x11: {  	[smem:$0x3FB1] =	sst s9;
	s0 =	simm.s32 @!p0 $0x0  }
0x12: {  	s1 =	sld [smem:$0x3F97];
	s0 =	simm.s32 @p0 $0x1  }
0x13: {  	[smem:$0x3FB2] =	sst s0;
	s0 =	simm.s32 @!p1 $0x0  }
0x14: {  	s2 =	sld [smem:$0x3F96];
	s0 =	simm.s32 @p1 $0x1  }
0x15: {  	[smem:$0x3FB3] =	sst s0;
	s0 =	simm.s32 @!p2 $0x0  }
0x16: {  	s3 =	sld [smem:$0x3FDB];
	s0 =	simm.s32 @p2 $0x1  }
0x17: {  	s4 =	simm.s32 $0x1BF5;
	[smem:$0x3FB5] =	sst s0  }
0x18: {  	s0 =	sld [smem:$0x3F98];
	_ =	swait.ge [sflag:s4], $0x0  }
0x19: {  	s7 =	sld [smem:$0x3F99]  }
0x1a: {  	s8 =	sadd.s32 $0xFFFFE003, lr  }
0x1b: {  	s9 =	sadd.s32 $0xFFFFFEF7, lr;
	s5 =	simm.s32 $0xFFFFFFFF;
	p2 =	slt.u32 s8, $0xFFFFF086  }
0x1c: {  	p1 =	slt.u32 s9, $0xF7A;
	s5 =	simm.s32 @!p2 $0x0  }
0x1d: {  	s5 =	simm.s32 @p1 $0x1;
	p0 =	seq.s32 s7, s2  }
0x1e: {  	s7 =	smul.u32 @!p0 $0xF7A, s2;
	p2 =	seq.s32 @!p0 s5, $0x0  }
0x1f: {  	s9 =	smul.u32 $0xF7A, s1;
	s8 =	simm.s32 @!p0 $0x1BF5;
	p2 =	por !p2, p0  }
0x20: {  	[sflag:s8] =	ssyncset.s32 @!p0 $0xFFFFF086;
	s6 =	sadd.s32 @!p0 s3, s7;
	s7 =	simm.s32 @!p0 $0x108  }
0x21: {  	s3 =	sadd.s32 s3, s9;
	s6 =	sadd.s32 @!p0 $0x88, s6;
	s7 =	simm.s32 @p2 $0x1082  }
0x22: {  	[simem:s7], [sflag:s8] =	dma.local @!p0 [hbm:s6], $0xF7A  }
0x23: {  	s9 =	sor.u32 $0xD0000000, s2;
	s6 =	simm.s32 $0x108;
	_ =	swait.ge @!p0 [sflag:s8], $0x0  }
0x24: {  	s3 =	sadd.s32 $0x88, s3;
	s6 =	simm.s32 @!p1 $0x1082;
	[sflag:s4] =	ssyncset.s32 $0xFFFFF086  }
0x25: {  	[simem:s6], [sflag:s4] =	dma.local [hbm:s3], $0xF7A  }
0x26: {  	[smem:$0x3F99] =	sst s1;
	(tag) =	ssettag s2;
	_ =	strace s9  }
0x27: {  	s1 =	sld [smem:$0x3FA9]  }
0x28: {  	s2 =	sld [smem:$0x3FAA]  }
0x29: {  	s4 =	sld [smem:$0x3FAC]  }
0x2a: {  	p0 =	seq.s32 s5, $0x0;
	s5 =	sld [smem:$0x3FAD]  }
0x2b: {  	s6 =	sld [smem:$0x3FAE]  }
0x2c: {  	s7 =	sld [smem:$0x3FAF]  }
0x2d: {  	s3 =	simm.s32 $0x108;
	s8 =	sld [smem:$0x3FB0]  }
0x2e: {  	s3 =	simm.s32 @!p0 $0x1082;
	s9 =	sld [smem:$0x3FB1]  }
0x2f: {  	lr =	sadd.s32 s0, s3;
	s0 =	sld [smem:$0x3FA8]  }
0x30: {  	s3 =	sld [smem:$0x3FAB]  }
0x31: {  	[smem:$0x3FB4] =	sst s10  }
0x32: {  	s10 =	sld [smem:$0x3FB2];
	_ =	sdelay $0x3  }
0x33: {  	p0 =	seq.s32 s10, $0x1;
	s10 =	sld [smem:$0x3FB4];
	_ =	sdelay $0x3  }
0x34: {  	[smem:$0x3FB4] =	sst s10  }
0x35: {  	s10 =	sld [smem:$0x3FB3];
	_ =	sdelay $0x3  }
0x36: {  	p1 =	seq.s32 s10, $0x1;
	s10 =	sld [smem:$0x3FB4];
	_ =	sdelay $0x3  }
0x37: {  	[smem:$0x3FB4] =	sst s10  }
0x38: {  	s10 =	sld [smem:$0x3FB5]  }
0x39: {  	_ = 	snop;
	(pc) =	sbr.ind lr, $3  }
0x3a: {  	_ = 	snop  }
0x3b: {  	_ = 	snop  }
0x3c: {  	p2 =	seq.s32 s10, $0x1;
	s10 =	sld [smem:$0x3FB4]  }
0x3d: {  	_ =	shalt  }
0x3e: {  	_ =	shalt  }
0x3f: {  	_ =	shalt  }
0x40: {  	_ =	shalt  }
0x41: {  	_ =	shalt  }
0x42: {  	_ =	shalt  }
0x43: {  	_ =	shalt  }
0x44: {  	_ =	shalt  }
0x45: {  	_ =	shalt  }
0x46: {  	_ =	shalt  }
0x47: {  	_ =	shalt  }
0x48: {  	_ =	shalt  }
0x49: {  	_ =	shalt  }
0x4a: {  	_ =	shalt  }
0x4b: {  	_ =	shalt  }
0x4c: {  	_ =	shalt  }
0x4d: {  	_ =	shalt  }
0x4e: {  	_ =	shalt  }
0x4f: {  	_ =	shalt  }
0x50: {  	_ =	shalt  }
0x51: {  	_ =	shalt  }
0x52: {  	_ =	shalt  }
0x53: {  	_ =	shalt  }
0x54: {  	_ =	shalt  }
0x55: {  	_ =	shalt  }
0x56: {  	_ =	shalt  }
0x57: {  	_ =	shalt  }
0x58: {  	_ =	shalt  }
0x59: {  	_ =	shalt  }
0x5a: {  	_ =	shalt  }
0x5b: {  	_ =	shalt  }
0x5c: {  	_ =	shalt  }
0x5d: {  	_ =	shalt  }
0x5e: {  	_ =	shalt  }
0x5f: {  	_ =	shalt  }
0x60: {  	_ =	shalt  }
0x61: {  	_ =	shalt  }
0x62: {  	_ =	shalt  }
0x63: {  	_ =	shalt  }
0x64: {  	_ =	shalt  }
0x65: {  	_ =	shalt  }
0x66: {  	_ =	shalt  }
0x67: {  	_ =	shalt  }
0x68: {  	_ =	shalt  }
0x69: {  	_ =	shalt  }
0x6a: {  	_ =	shalt  }
0x6b: {  	_ =	shalt  }
0x6c: {  	_ =	shalt  }
0x6d: {  	_ =	shalt  }
0x6e: {  	_ =	shalt  }
0x6f: {  	_ =	shalt  }
0x70: {  	_ =	shalt  }
0x71: {  	_ =	shalt  }
0x72: {  	_ =	shalt  }
0x73: {  	_ =	shalt  }
0x74: {  	_ =	shalt  }
0x75: {  	_ =	shalt  }
0x76: {  	_ =	shalt  }
0x77: {  	_ =	shalt  }
0x78: {  	_ =	shalt  }
0x79: {  	_ =	shalt  }
0x7a: {  	_ =	shalt  }
0x7b: {  	_ =	shalt  }
0x7c: {  	_ =	shalt  }
0x7d: {  	_ =	shalt  }
0x7e: {  	_ =	shalt  }
0x7f: {  	_ =	shalt  }
0x80: {  	_ =	shalt  }
0x81: {  	_ =	shalt  }
0x82: {  	_ =	shalt  }
0x83: {  	_ =	shalt  }
0x84: {  	_ =	shalt  }
0x85: {  	_ =	shalt  }
0x86: {  	_ =	shalt  }
0x87: {  	_ =	shalt  }
.Lfunc_end0:
.L_simem_size_0:
called_computation.2_lowered:
.L_overlay_start_0:
0x88: {  	s2 =	sld [smem:$0x3FD9]  }
0x89: {  	s3 =	sld [smem:$0x3FFE];
	_ =	sdelay $0x1  }
0x8a: {  	s1 =	srdreg.scid  }
0x8b: {  	s0 =	sand.u32 $0x1, s1  }
0x8c: {  	s17 =	sshll.u32 s0, $0xA;
	s2 =	sadd.s32 s3, s2  }
0x8d: {  	s2 =	sadd.s32 s2, s17  }
0x8e: {  	[smem:$0x3FC0] =	sst s2  }
0x8f: {  	_ = 	snop  }
0x90: {  	s18 =	sld [smem:$0x3FC4];
	(tm) =	ssettm $0x1  }
0x91: {  	s19 =	sld [smem:$0x3FFB];
	_ =	sdelay $0x3  }
0x92: {  	_ =	strace s19  }
0x93: {  	s2 =	sld [smem:$0x3FFC];
	_ =	sdelay $0x3  }
0x94: {  	_ =	strace s2  }
0x95: {  	s2 =	sld [smem:$0x3FFD];
	_ =	sdelay $0x3  }
0x96: {  	_ =	strace s2  }
0x97: {  	_ =	strace $0x8FFFFFFF  }
0x98: {  	s20 =	sld [smem:$0x3FDB];
	_ =	sdelay $0x1  }
0x99: {  	s4 =	simm.s32 $_scs_section_size  }
0x9a: {  	s5 =	simm.s32 $_size__tile_overlayer_lowered;
	s6 =	simm.s32 $_tile_overlayer_lowered  }
0x9b: {  	s7 =	simm.s32 $0x1BFF;
	s21 =	sshll.u32 s6, $0x1;
	s4 =	sadd.s32 s4, s20  }
0x9c: {  	s22 =	simm.s32 $0x0;
	s5 =	sshll.u32 s5, $0x1;
	s6 =	sadd.s32 s21, s4  }
0x9d: {  	[timem:s22], [sflag:s7] =	dma.local [hbm:s6], s5  }
0x9e: {  	_ =	swait.ge [sflag:s7], s5  }
0x9f: {  	s5 =	ssub.s32 $0x0, s5;
	[sflag:s7] =	ssyncset.done $0x0  }
0xa0: {  	[sflag:s7] =	ssyncadd.s32 s5;
	_ =	sdelay $0x1  }
0xa1: {  	s23 =	simm.s32 $0x1B8B  }
0xa2: {  	_ =	swait.ge [sflag:s23], $0x1  }
0xa3: {  	[sflag:s23] =	ssyncset.done $0x0  }
0xa4: {  	[sflag:s23] =	ssyncadd.s32 $0xFFFFFFFF  }
0xa5: {  	s5 =	sld [smem:$0x0]  }
0xa6: {  	s6 =	sand.u32 $0xFFFFFFFE, s1  }
0xa7: {  	p0 =	sne.s32 s1, s6  }
0xa8: {  	s6 =	sshll.u32 @p0 s6, $0xE  }
0xa9: {  	s6 =	sadd.s32 @p0 $0x11B8D, s6;
	s7 =	sshll.u32 @p0 s5, $0x11  }
0xaa: {  	s6 =	sor.u32 @p0 s7, s6  }
0xab: {  	[sflag:s6] =	ssyncadd.remote.s32 @p0 $0x1;
	_ =	sdelay $0x1  }
0xac: {  	s6 =	simm.s32 @p0 $0x1B8D  }
0xad: {  	_ =	swait.eq @p0 [sflag:s6], $0x1  }
0xae: {  	[sflag:s6] =	ssyncadd.s32 @p0 $0xFFFFFFFF  }
0xaf: {  	s7 =	sshll.u32 @!p0 s1, $0xE  }
0xb0: {  	s7 =	sor.u32 @!p0 $0x4000, s7;
	s6 =	simm.s32 @!p0 $0x1B8D  }
0xb1: {  	s5 =	sshll.u32 @!p0 s5, $0x11;
	s7 =	sadd.s32 @!p0 $0x11B8D, s7;
	_ =	swait.eq @!p0 [sflag:s6], $0x1  }
0xb2: {  	s5 =	sor.u32 @!p0 s5, s7;
	[sflag:s6] =	ssyncadd.s32 @!p0 $0xFFFFFFFF  }
0xb3: {  	s25 =	simm.s32 $0x1B8E;
	s24 =	sld [smem:$0x3FFE];
	[sflag:s5] =	ssyncadd.remote.s32 @!p0 $0x1  }
0xb4: {  	s26 =	simm.s32 $execute0_lowered;
	[smem:$0x3FD2] =	sst s25  }
0xb5: {  	s6 =	sshll.u32 s26, $0x1;
	_ =	strace $0x8000004C;
	[dreg:$0x1] =	wrdreg $0xFFFFFFFF  }
0xb6: {  	s28 =	simm.s32 $_size_execute0_lowered;
	s4 =	sadd.s32 s4, s6;
	[dreg:$0x0] =	wrdreg $0x0  }
0xb7: {  	s6 =	sshll.u32 s28, $0x1;
	[dreg:$0x2] =	wrdreg s4  }
0xb8: {  	[dreg:$0x3] =	wrdreg s6  }
0xb9: {  	[dreg:$0x4] =	wrdreg $0xC0  }
0xba: {  	_ =	task [dreg:s22], $0x5FFFF  }
0xbb: {  	[dreg:$0x1] =	wrdreg $0xFFFFFFFF  }
0xbc: {  	[dreg:$0x0] =	wrdreg $0x60  }
0xbd: {  	[dreg:$0x2] =	wrdreg s18  }
0xbe: {  	[dreg:$0x3] =	wrdreg s24  }
0xbf: {  	[dreg:$0x4] =	wrdreg $0xB  }
0xc0: {  	_ =	task.clear_ibuf [dreg:s22], $0x5FFFF;
	_ =	strace $0x9000004C  }
0xc1: {  	s29 =	simm.s32 $0xB;
	_ =	strace $0x8000004E  }
0xc2: {  	_ =	swait.ge [sflag:s29], $0x1  }
0xc3: {  	[sflag:s29] =	ssyncadd.s32 $0xFFFFFFFF  }
0xc4: {  	_ =	strace $0x9000004E  }
0xc5: {  	_ =	sfence  }
0xc6: {  	s30 =	sld [smem:$0x0];
	_ =	sdelay $0x2  }
0xc7: {  	s31 =	sshll.u32 s1, $0xD;
	s1 =	sshrl.u32 s1, $0x2  }
0xc8: {  	s4 =	sand.u32 $0x4000, s31;
	s1 =	sadd.s32 s1, s30  }
0xc9: {  	s0 =	sor.u32 s4, s0;
	s1 =	sshll.u32 s1, $0x11  }
0xca: {  	s0 =	sor.u32 s1, s0  }
0xcb: {  	s0 =	sadd.s32 $0x8F2B, s0  }
0xcc: {  	[sflag:s0] =	ssyncadd.remote.s32 $0x1  }
0xcd: {  	_ =	sfence.sel $0xFFFF  }
0xce: {  	[dreg:$0x0] =	wrdreg $0xFFFFFFFF;
	(pc) =	sbr.abs _section_cstart, $3  }
0xcf: {  	[dreg:$0x1] =	wrdreg $0xFFFFFFFF  }
0xd0: {  	_ =	task.clear_ibuf [dreg:s22], $0x2FFFF;
	_ =	strace $0x9FFFFFFF  }
0xd1: {  	(tm) =	ssettm $0x7FFFFFFF  }
tec
execute0_lowered:
.L_overlay_start_1:
0x0: {  	(tag) =	ssettag $0x1  }
0x1: {  	s1 =	srdreg.scid;
	s0 =	stileid.u32  }
0x2: {  	s1 =	sand.u32 $0x1, s1;
	s3 =	smul.u32 $0xB00, s0  }
0x3: {  	s4 =	smul.u32 $0x580, s1  }
0x4: {  	s2 =	rddreg [dreg:$0x0]  }
0x5: {  	s5 =	rddreg [dreg:$0x1];
	s4 =	sadd.s32 s4, s3;
	s3 =	simm.s32 $0x0  }
0x6: {  	s19 =	simm.s32 $0x900;
	[smem:$0x7FF] =	sst s3  }
0x7: {  	s20 =	simm.s32 $0x1100;
	_ =	strace $0x8000004D;
	[dreg:$0x4] =	wrdreg s19  }
0x8: {  	s21 =	simm.s32 $0x1900;
	[dreg:$0x5] =	wrdreg s20  }
0x9: {  	s22 =	simm.s32 $0x2100;
	[dreg:$0x6] =	wrdreg s21  }
0xa: {  	s23 =	simm.s32 $0x2900;
	[dreg:$0x7] =	wrdreg s22  }
0xb: {  	s24 =	simm.s32 $0x3100;
	[dreg:$0x8] =	wrdreg s23  }
0xc: {  	s25 =	simm.s32 $0x3900;
	[dreg:$0x9] =	wrdreg s24  }
0xd: {  	s26 =	simm.s32 $0x4100;
	[dreg:$0xa] =	wrdreg s25  }
0xe: {  	s30 =	simm.s32 $0x4900;
	[dreg:$0xb] =	wrdreg s26  }
0xf: {  	s31 =	simm.s32 $0x5100;
	[dreg:$0xc] =	wrdreg s30  }
0x10: {  	s0 =	simm.s32 $0x5900;
	[dreg:$0xd] =	wrdreg s31  }
0x11: {  	s7 =	simm.s32 $0x6100;
	[dreg:$0xe] =	wrdreg s0  }
0x12: {  	s8 =	simm.s32 $0x6900;
	[dreg:$0xf] =	wrdreg s7  }
0x13: {  	s9 =	simm.s32 $0x7100;
	[dreg:$0x10] =	wrdreg s8  }
0x14: {  	s10 =	simm.s32 $0x7900;
	[dreg:$0x11] =	wrdreg s9  }
0x15: {  	s11 =	simm.s32 $0x8100;
	[dreg:$0x12] =	wrdreg s10  }
0x16: {  	s12 =	simm.s32 $0x8900;
	[dreg:$0x13] =	wrdreg s11  }
0x17: {  	s13 =	simm.s32 $0x9100;
	s14 =	simm.s32 $0x9900;
	[dreg:$0x14] =	wrdreg s12  }
0x18: {  	s15 =	simm.s32 $0xA100;
	s16 =	simm.s32 $0xA900;
	[dreg:$0x15] =	wrdreg s13  }
0x19: {  	s17 =	simm.s32 $0xB100;
	s18 =	simm.s32 $0xB900;
	[dreg:$0x16] =	wrdreg s14  }
0x1a: {  	s28 =	simm.s32 $0x2;
	s29 =	simm.s32 $0x0;
	[dreg:$0x17] =	wrdreg s15  }
0x1b: {  	s1 =	ssub.s32 $0x2, s1;
	s4 =	sshrl.u32 s4, $0x3;
	[dreg:$0x18] =	wrdreg s16  }
0x1c: {  	s6 =	sadd.s32 s4, s5;
	s4 =	smul.u32 $0x300, s4;
	[dreg:$0x19] =	wrdreg s17  }
0x1d: {  	[dreg:$0x1a] =	wrdreg s18;
	s19 =	simm.s32 $0x80;
	s20 =	simm.s32 $0xC900  }
0x1e: {  	s21 =	sshrl.u32 s1, $0x1;
	s22 =	simm.s32 $0xD100;
	s23 =	simm.s32 $0xD900  }
0x1f: {  	s24 =	simm.s32 $0xE100;
	s8 =	simm.s32 $0xE900;
	[dreg:$0x1b] =	wrdreg s19  }
0x20: {  	s26 =	simm.s32 $0xF100;
	s30 =	simm.s32 $0xF900;
	[dreg:$0x1c] =	wrdreg s20  }
0x21: {  	s31 =	simm.s32 $0x10100;
	s9 =	simm.s32 $0x100;
	[dreg:$0x1d] =	wrdreg s22  }
0x22: {  	s10 =	simm.s32 $0xC100;
	s11 =	simm.s32 $0x10900;
	[dreg:$0x1e] =	wrdreg s23  }
0x23: {  	s12 =	simm.s32 $0x11100;
	s13 =	simm.s32 $0x11900;
	[dreg:$0x1f] =	wrdreg s24  }
0x24: {  	s14 =	simm.s32 $0x12100;
	s15 =	simm.s32 $0x12900;
	[smem:$0x7FA] =	sst s8  }
0x25: {  	s16 =	simm.s32 $0x13100;
	s17 =	simm.s32 $0x13900;
	[smem:$0x7FB] =	sst s26  }
0x26: {  	s18 =	simm.s32 $0x14100;
	s6 =	sadd.s32 $0x1E2600, s6;
	[smem:$0x7FC] =	sst s30  }
0x27: {  	s1 =	ssub.s32 s1, s21;
	s8 =	simm.s32 $0x3;
	[smem:$0x7FD] =	sst s31  }
0x28: {  	s19 =	simm.s32 $0x14900;
	s20 =	simm.s32 $0x15100;
	s21 =	simm.s32 $0x15900  }
0x29: {  	s22 =	simm.s32 $0x16100;
	s23 =	simm.s32 $0x16900;
	s24 =	simm.s32 $0x17100  }
0x2a: {  	v2 =	vlaneseq.u32;
	s26 =	simm.s32 $0x1;
	[dreg:$0x3] =	wrdreg s6;
	s7 =	sadd.s32 s4, s5  }
0x2b: {  	vm0 =	vmmov $0xffff;
	v1 =	vshrl.u32 v2, $0x3;
	s4 =	sadd.s32 $0x100, s2;
	s5 =	sadd.s32 $0x200, s2;
	s25 =	smax.u32 s1, $0x1  }
0x2c: {  	v0 =	vand.u32 $0x7, v2;
	v2 =	vor.u32 $0x8, v2;
	v1 =	vmul.u32 $0x8, v1;
	[smem:$0x7F9] =	sst s25;
	s7 =	sadd.s32 $0x1E5400, s7;
	s25 =	simm.s32 $0x17900  }
.LBB2_1:
0x2d: {  	s30 =	smov.u32 s7;
	s31 =	simm.s32 $0x0  }
.LBB2_2:
0x2e: {  	s1 =	rddreg [dreg:$0x3]  }
0x2f: {  	s1 =	sadd.s32 s31, s1  }
0x30: {  	[tilespmem:s3], [sflag:$0x3] =	stream.linear.gather [hbm4b:s1+s3], $0x40, $0x38;
	[tilespmem:$0x18100] =	vst v63  }
0x31: {  	_ =	swait.ge [sflag:s8], $0x40  }
0x32: {  	[sflag:s8] =	ssyncset.done $0x0  }
0x33: {  	[sflag:s8] =	ssyncadd.s32 $0xFFFFFFC0  }
0x34: {  	v3 =	vld [tilespmem:$0x0];
	_ =	sdelay $0x4  }
0x35: {  	v4 =	vshrl.u32 v3, $0x3  }
0x36: {  	v4 =	vmul.u32 $0x30, v4  }
0x37: {  	v3 =	vand.u32 $0x7, v3  }
0x38: {  	v3 =	vor.u32 v3, v4  }
0x39: {  	v4 =	vperm.xlane v3, v0;
	_ =	sdelay $0x1  }
0x3a: {  	v4 =	vadd.s32 v1, v4;
	_ =	sdelay $0x3  }
0x3b: {  	v3 =	vperm.xlane v3, v2  }
0x3c: {  	[tilespmem:s9], [sflag:$0x1] =	stream.indirect_vreg.gather [hbm4b:s2+s3], $0x80, v4, vm0, $0xb8;
	[tilespmem:$0x18100] =	vst v63  }
0x3d: {  	s0 =	rddreg [dreg:$0x4];
	v3 =	vadd.s32 v1, v3  }
0x3e: {  	[tilespmem:s0], [sflag:$0x1] =	stream.indirect_vreg.gather [hbm4b:s4+s3], $0x80, v4, vm0, $0xb8;
	[tilespmem:$0x18100] =	vst v63  }
0x3f: {  	s6 =	rddreg [dreg:$0x5]  }
0x40: {  	[tilespmem:s6], [sflag:$0x1] =	stream.indirect_vreg.gather [hbm4b:s5+s3], $0x80, v4, vm0, $0xb8;
	[tilespmem:$0x18100] =	vst v63  }
0x41: {  	s0 =	rddreg [dreg:$0x6]  }
0x42: {  	[tilespmem:s0], [sflag:$0x1] =	stream.indirect_vreg.gather [hbm4b:s2+s3], $0x80, v3, vm0, $0xb8;
	[tilespmem:$0x18100] =	vst v63  }
0x43: {  	s6 =	rddreg [dreg:$0x7]  }
0x44: {  	[tilespmem:s6], [sflag:$0x1] =	stream.indirect_vreg.gather [hbm4b:s4+s3], $0x80, v3, vm0, $0xb8;
	[tilespmem:$0x18100] =	vst v63  }
0x45: {  	s0 =	rddreg [dreg:$0x8]  }
0x46: {  	[tilespmem:s0], [sflag:$0x1] =	stream.indirect_vreg.gather [hbm4b:s5+s3], $0x80, v3, vm0, $0xb8;
	[tilespmem:$0x18100] =	vst v63  }
0x47: {  	v3 =	vld [tilespmem:$0x10];
	_ =	sdelay $0x4  }
0x48: {  	v57 =	vshrl.u32 v3, $0x3  }
0x49: {  	v4 =	vmul.u32 $0x30, v57  }
0x4a: {  	v3 =	vand.u32 $0x7, v3  }
0x4b: {  	v3 =	vor.u32 v3, v4  }
0x4c: {  	v4 =	vperm.xlane v3, v0;
	_ =	sdelay $0x1  }
0x4d: {  	v4 =	vadd.s32 v1, v4;
	_ =	sdelay $0x3  }
0x4e: {  	s0 =	rddreg [dreg:$0x9];
	v3 =	vperm.xlane v3, v2  }
0x4f: {  	[tilespmem:s0], [sflag:$0x1] =	stream.indirect_vreg.gather [hbm4b:s2+s3], $0x80, v4, vm0, $0xb8;
	[tilespmem:$0x18100] =	vst v63  }
0x50: {  	s6 =	rddreg [dreg:$0xa];
	v3 =	vadd.s32 v1, v3  }
0x51: {  	[tilespmem:s6], [sflag:$0x1] =	stream.indirect_vreg.gather [hbm4b:s4+s3], $0x80, v4, vm0, $0xb8;
	[tilespmem:$0x18100] =	vst v63  }
0x52: {  	s0 =	rddreg [dreg:$0xb]  }
0x53: {  	[tilespmem:s0], [sflag:$0x1] =	stream.indirect_vreg.gather [hbm4b:s5+s3], $0x80, v4, vm0, $0xb8;
	[tilespmem:$0x18100] =	vst v63  }
0x54: {  	s6 =	rddreg [dreg:$0xc]  }
0x55: {  	[tilespmem:s6], [sflag:$0x1] =	stream.indirect_vreg.gather [hbm4b:s2+s3], $0x80, v3, vm0, $0xb8;
	[tilespmem:$0x18100] =	vst v63  }
0x56: {  	s0 =	rddreg [dreg:$0xd]  }
0x57: {  	[tilespmem:s0], [sflag:$0x1] =	stream.indirect_vreg.gather [hbm4b:s4+s3], $0x80, v3, vm0, $0xb8;
	[tilespmem:$0x18100] =	vst v63  }
0x58: {  	s6 =	rddreg [dreg:$0xe]  }
0x59: {  	[tilespmem:s6], [sflag:$0x1] =	stream.indirect_vreg.gather [hbm4b:s5+s3], $0x80, v3, vm0, $0xb8;
	[tilespmem:$0x18100] =	vst v63  }
0x5a: {  	v3 =	vld [tilespmem:$0x20];
	_ =	sdelay $0x4  }
0x5b: {  	v58 =	vshrl.u32 v3, $0x3  }
0x5c: {  	v4 =	vmul.u32 $0x30, v58  }
0x5d: {  	v3 =	vand.u32 $0x7, v3  }
0x5e: {  	v3 =	vor.u32 v3, v4  }
0x5f: {  	v4 =	vperm.xlane v3, v0;
	_ =	sdelay $0x1  }
0x60: {  	v4 =	vadd.s32 v1, v4;
	_ =	sdelay $0x3  }
0x61: {  	s0 =	rddreg [dreg:$0xf];
	v3 =	vperm.xlane v3, v2  }
0x62: {  	[tilespmem:s0], [sflag:$0x1] =	stream.indirect_vreg.gather [hbm4b:s2+s3], $0x80, v4, vm0, $0xb8;
	[tilespmem:$0x18100] =	vst v63  }
0x63: {  	s6 =	rddreg [dreg:$0x10];
	v3 =	vadd.s32 v1, v3  }
0x64: {  	[tilespmem:s6], [sflag:$0x1] =	stream.indirect_vreg.gather [hbm4b:s4+s3], $0x80, v4, vm0, $0xb8;
	[tilespmem:$0x18100] =	vst v63  }
0x65: {  	s0 =	rddreg [dreg:$0x11]  }
0x66: {  	[tilespmem:s0], [sflag:$0x1] =	stream.indirect_vreg.gather [hbm4b:s5+s3], $0x80, v4, vm0, $0xb8;
	[tilespmem:$0x18100] =	vst v63  }
0x67: {  	s6 =	rddreg [dreg:$0x12]  }
0x68: {  	[tilespmem:s6], [sflag:$0x1] =	stream.indirect_vreg.gather [hbm4b:s2+s3], $0x80, v3, vm0, $0xb8;
	[tilespmem:$0x18100] =	vst v63  }
0x69: {  	s0 =	rddreg [dreg:$0x13]  }
0x6a: {  	[tilespmem:s0], [sflag:$0x1] =	stream.indirect_vreg.gather [hbm4b:s4+s3], $0x80, v3, vm0, $0xb8;
	[tilespmem:$0x18100] =	vst v63  }
0x6b: {  	s6 =	rddreg [dreg:$0x14]  }
0x6c: {  	[tilespmem:s6], [sflag:$0x1] =	stream.indirect_vreg.gather [hbm4b:s5+s3], $0x80, v3, vm0, $0xb8;
	[tilespmem:$0x18100] =	vst v63  }
0x6d: {  	v3 =	vld [tilespmem:$0x30];
	_ =	sdelay $0x4  }
0x6e: {  	v59 =	vshrl.u32 v3, $0x3  }
0x6f: {  	v4 =	vmul.u32 $0x30, v59  }
0x70: {  	v3 =	vand.u32 $0x7, v3  }
0x71: {  	v3 =	vor.u32 v3, v4  }
0x72: {  	v4 =	vperm.xlane v3, v0;
	_ =	sdelay $0x1  }
0x73: {  	v4 =	vadd.s32 v1, v4;
	_ =	sdelay $0x3  }
0x74: {  	s0 =	rddreg [dreg:$0x15];
	v3 =	vperm.xlane v3, v2  }
0x75: {  	[tilespmem:s0], [sflag:$0x1] =	stream.indirect_vreg.gather [hbm4b:s2+s3], $0x80, v4, vm0, $0xb8;
	[tilespmem:$0x18100] =	vst v63  }
0x76: {  	s6 =	rddreg [dreg:$0x16];
	v3 =	vadd.s32 v1, v3  }
0x77: {  	[tilespmem:s6], [sflag:$0x1] =	stream.indirect_vreg.gather [hbm4b:s4+s3], $0x80, v4, vm0, $0xb8;
	[tilespmem:$0x18100] =	vst v63  }
0x78: {  	s0 =	rddreg [dreg:$0x17]  }
0x79: {  	[tilespmem:s0], [sflag:$0x1] =	stream.indirect_vreg.gather [hbm4b:s5+s3], $0x80, v4, vm0, $0xb8;
	[tilespmem:$0x18100] =	vst v63  }
0x7a: {  	s6 =	rddreg [dreg:$0x18]  }
0x7b: {  	[tilespmem:s6], [sflag:$0x1] =	stream.indirect_vreg.gather [hbm4b:s2+s3], $0x80, v3, vm0, $0xb8;
	[tilespmem:$0x18100] =	vst v63  }
0x7c: {  	s0 =	rddreg [dreg:$0x19]  }
0x7d: {  	[tilespmem:s0], [sflag:$0x1] =	stream.indirect_vreg.gather [hbm4b:s4+s3], $0x80, v3, vm0, $0xb8;
	[tilespmem:$0x18100] =	vst v63  }
0x7e: {  	s6 =	rddreg [dreg:$0x1a]  }
0x7f: {  	[tilespmem:s6], [sflag:$0x1] =	stream.indirect_vreg.gather [hbm4b:s5+s3], $0x80, v3, vm0, $0xb8;
	[tilespmem:$0x18100] =	vst v63  }
0x80: {  	s1 =	sadd.s32 $0x8, s1;
	s0 =	rddreg [dreg:$0x1b]  }
0x81: {  	[tilespmem:s0], [sflag:$0x3] =	stream.linear.gather [hbm4b:s1+s3], $0x40, $0x38;
	[tilespmem:$0x18100] =	vst v63  }
0x82: {  	_ =	swait.ge [sflag:s8], $0x40  }
0x83: {  	[sflag:s8] =	ssyncset.done $0x0  }
0x84: {  	[sflag:s8] =	ssyncadd.s32 $0xFFFFFFC0  }
0x85: {  	v3 =	vld [tilespmem:$0x80];
	_ =	sdelay $0x4  }
0x86: {  	v60 =	vshrl.u32 v3, $0x3  }
0x87: {  	v4 =	vmul.u32 $0x30, v60  }
0x88: {  	v3 =	vand.u32 $0x7, v3  }
0x89: {  	v3 =	vor.u32 v3, v4  }
0x8a: {  	v4 =	vperm.xlane v3, v0;
	_ =	sdelay $0x1  }
0x8b: {  	v4 =	vadd.s32 v1, v4;
	_ =	sdelay $0x3  }
0x8c: {  	s6 =	rddreg [dreg:$0x1c];
	v3 =	vperm.xlane v3, v2  }
0x8d: {  	[tilespmem:s10], [sflag:$0x2] =	stream.indirect_vreg.gather [hbm4b:s2+s3], $0x80, v4, vm0, $0xb8;
	[tilespmem:$0x18100] =	vst v63  }
0x8e: {  	s1 =	rddreg [dreg:$0x1d];
	v3 =	vadd.s32 v1, v3  }
0x8f: {  	[tilespmem:s6], [sflag:$0x2] =	stream.indirect_vreg.gather [hbm4b:s4+s3], $0x80, v4, vm0, $0xb8;
	[tilespmem:$0x18100] =	vst v63  }
0x90: {  	s6 =	rddreg [dreg:$0x1e]  }
0x91: {  	[tilespmem:s1], [sflag:$0x2] =	stream.indirect_vreg.gather [hbm4b:s5+s3], $0x80, v4, vm0, $0xb8;
	[tilespmem:$0x18100] =	vst v63  }
0x92: {  	s1 =	rddreg [dreg:$0x1f]  }
0x93: {  	[tilespmem:s6], [sflag:$0x2] =	stream.indirect_vreg.gather [hbm4b:s2+s3], $0x80, v3, vm0, $0xb8;
	[tilespmem:$0x18100] =	vst v63  }
0x94: {  	s6 =	sld [smem:$0x7FA]  }
0x95: {  	[tilespmem:s1], [sflag:$0x2] =	stream.indirect_vreg.gather [hbm4b:s4+s3], $0x80, v3, vm0, $0xb8;
	[tilespmem:$0x18100] =	vst v63  }
0x96: {  	_ = 	snop  }
0x97: {  	[tilespmem:s6], [sflag:$0x2] =	stream.indirect_vreg.gather [hbm4b:s5+s3], $0x80, v3, vm0, $0xb8;
	[tilespmem:$0x18100] =	vst v63  }
0x98: {  	v3 =	vld [tilespmem:$0x90];
	_ =	sdelay $0x4  }
0x99: {  	v61 =	vshrl.u32 v3, $0x3  }
0x9a: {  	v4 =	vmul.u32 $0x30, v61  }
0x9b: {  	v3 =	vand.u32 $0x7, v3  }
0x9c: {  	v3 =	vor.u32 v3, v4  }
0x9d: {  	v4 =	vperm.xlane v3, v0;
	_ =	sdelay $0x1  }
0x9e: {  	v4 =	vadd.s32 v1, v4;
	_ =	sdelay $0x1  }
0x9f: {  	s6 =	sld [smem:$0x7FB];
	_ =	sdelay $0x1  }
0xa0: {  	s1 =	sld [smem:$0x7FC];
	v3 =	vperm.xlane v3, v2  }
0xa1: {  	[tilespmem:s6], [sflag:$0x2] =	stream.indirect_vreg.gather [hbm4b:s2+s3], $0x80, v4, vm0, $0xb8;
	[tilespmem:$0x18100] =	vst v63  }
0xa2: {  	v3 =	vadd.s32 v1, v3;
	s6 =	sld [smem:$0x7FD]  }
0xa3: {  	[tilespmem:s1], [sflag:$0x2] =	stream.indirect_vreg.gather [hbm4b:s4+s3], $0x80, v4, vm0, $0xb8;
	[tilespmem:$0x18100] =	vst v63  }
0xa4: {  	_ = 	snop  }
0xa5: {  	[tilespmem:s6], [sflag:$0x2] =	stream.indirect_vreg.gather [hbm4b:s5+s3], $0x80, v4, vm0, $0xb8;
	[tilespmem:$0x18100] =	vst v63  }
0xa6: {  	_ = 	snop  }
0xa7: {  	[tilespmem:s11], [sflag:$0x2] =	stream.indirect_vreg.gather [hbm4b:s2+s3], $0x80, v3, vm0, $0xb8;
	[tilespmem:$0x18100] =	vst v63  }
0xa8: {  	_ = 	snop  }
0xa9: {  	[tilespmem:s12], [sflag:$0x2] =	stream.indirect_vreg.gather [hbm4b:s4+s3], $0x80, v3, vm0, $0xb8;
	[tilespmem:$0x18100] =	vst v63  }
0xaa: {  	_ = 	snop  }
0xab: {  	[tilespmem:s13], [sflag:$0x2] =	stream.indirect_vreg.gather [hbm4b:s5+s3], $0x80, v3, vm0, $0xb8;
	[tilespmem:$0x18100] =	vst v63  }
0xac: {  	v3 =	vld [tilespmem:$0xA0];
	_ =	sdelay $0x4  }
0xad: {  	v62 =	vshrl.u32 v3, $0x3  }
0xae: {  	v4 =	vmul.u32 $0x30, v62  }
0xaf: {  	v3 =	vand.u32 $0x7, v3  }
0xb0: {  	v3 =	vor.u32 v3, v4  }
0xb1: {  	v4 =	vperm.xlane v3, v0;
	_ =	sdelay $0x1  }
0xb2: {  	v4 =	vadd.s32 v1, v4;
	_ =	sdelay $0x3  }
0xb3: {  	v3 =	vperm.xlane v3, v2  }
0xb4: {  	[tilespmem:s14], [sflag:$0x2] =	stream.indirect_vreg.gather [hbm4b:s2+s3], $0x80, v4, vm0, $0xb8;
	[tilespmem:$0x18100] =	vst v63  }
0xb5: {  	v3 =	vadd.s32 v1, v3  }
0xb6: {  	[tilespmem:s15], [sflag:$0x2] =	stream.indirect_vreg.gather [hbm4b:s4+s3], $0x80, v4, vm0, $0xb8;
	[tilespmem:$0x18100] =	vst v63  }
0xb7: {  	_ = 	snop  }
0xb8: {  	[tilespmem:s16], [sflag:$0x2] =	stream.indirect_vreg.gather [hbm4b:s5+s3], $0x80, v4, vm0, $0xb8;
	[tilespmem:$0x18100] =	vst v63  }
0xb9: {  	_ = 	snop  }
0xba: {  	[tilespmem:s17], [sflag:$0x2] =	stream.indirect_vreg.gather [hbm4b:s2+s3], $0x80, v3, vm0, $0xb8;
	[tilespmem:$0x18100] =	vst v63  }
0xbb: {  	_ = 	snop  }
0xbc: {  	[tilespmem:s18], [sflag:$0x2] =	stream.indirect_vreg.gather [hbm4b:s4+s3], $0x80, v3, vm0, $0xb8;
	[tilespmem:$0x18100] =	vst v63  }
0xbd: {  	_ = 	snop  }
0xbe: {  	[tilespmem:s19], [sflag:$0x2] =	stream.indirect_vreg.gather [hbm4b:s5+s3], $0x80, v3, vm0, $0xb8;
	[tilespmem:$0x18100] =	vst v63  }
0xbf: {  	v3 =	vld [tilespmem:$0xB0];
	_ =	sdelay $0x4  }
0xc0: {  	v63 =	vshrl.u32 v3, $0x3  }
0xc1: {  	v4 =	vmul.u32 $0x30, v63  }
0xc2: {  	v3 =	vand.u32 $0x7, v3  }
0xc3: {  	v3 =	vor.u32 v3, v4  }
0xc4: {  	v4 =	vperm.xlane v3, v0;
	_ =	sdelay $0x1  }
0xc5: {  	v4 =	vadd.s32 v1, v4;
	_ =	sdelay $0x3  }
0xc6: {  	v3 =	vperm.xlane v3, v2  }
0xc7: {  	[tilespmem:s20], [sflag:$0x2] =	stream.indirect_vreg.gather [hbm4b:s2+s3], $0x80, v4, vm0, $0xb8;
	[tilespmem:$0x18100] =	vst v63  }
0xc8: {  	v3 =	vadd.s32 v1, v3  }
0xc9: {  	[tilespmem:s21], [sflag:$0x2] =	stream.indirect_vreg.gather [hbm4b:s4+s3], $0x80, v4, vm0, $0xb8;
	[tilespmem:$0x18100] =	vst v63  }
0xca: {  	_ = 	snop  }
0xcb: {  	[tilespmem:s22], [sflag:$0x2] =	stream.indirect_vreg.gather [hbm4b:s5+s3], $0x80, v4, vm0, $0xb8;
	[tilespmem:$0x18100] =	vst v63  }
0xcc: {  	_ = 	snop  }
0xcd: {  	[tilespmem:s23], [sflag:$0x2] =	stream.indirect_vreg.gather [hbm4b:s2+s3], $0x80, v3, vm0, $0xb8;
	[tilespmem:$0x18100] =	vst v63  }
0xce: {  	_ = 	snop  }
0xcf: {  	[tilespmem:s24], [sflag:$0x2] =	stream.indirect_vreg.gather [hbm4b:s4+s3], $0x80, v3, vm0, $0xb8;
	[tilespmem:$0x18100] =	vst v63  }
0xd0: {  	_ = 	snop  }
0xd1: {  	[tilespmem:s25], [sflag:$0x2] =	stream.indirect_vreg.gather [hbm4b:s5+s3], $0x80, v3, vm0, $0xb8;
	[tilespmem:$0x18100] =	vst v63  }
0xd2: {  	_ =	swait.ge [sflag:s26], $0xC000  }
0xd3: {  	[sflag:s26] =	ssyncset.done $0x0  }
0xd4: {  	s6 =	sadd.s32 $0xFFFFE800, s30;
	[sflag:s26] =	ssyncadd.s32 $0xFFFF4000  }
0xd5: {  	[hbm4b:s6+s3] =	stream.linear.scatter [tilespmem:s9], [sflag:$0x3], $0xC000, $0x38;
	[tilespmem:$0x18100] =	vst v63  }
0xd6: {  	_ =	swait.ge [sflag:s8], $0xC000  }
0xd7: {  	[sflag:s8] =	ssyncset.done $0x0  }
0xd8: {  	[sflag:s8] =	ssyncadd.s32 $0xFFFF4000  }
0xd9: {  	_ =	swait.ge [sflag:s28], $0xC000  }
0xda: {  	p0 =	sne.s32 s31, $0xA0;
	[sflag:s28] =	ssyncset.done $0x0  }
.Ltmp0:
0xdb: {  	[sflag:s28] =	ssyncadd.s32 $0xFFFF4000;
	(pc) =	sbr.rel @p0 .LBB2_2-.Ltmp0, $4  }
0xdc: {  	[hbm4b:s30+s3] =	stream.linear.scatter [tilespmem:s10], [sflag:$0x3], $0xC000, $0x38;
	[tilespmem:$0x18100] =	vst v63  }
0xdd: {  	_ =	swait.ge [sflag:s8], $0xC000  }
0xde: {  	[sflag:s8] =	ssyncset.done $0x0  }
0xdf: {  	s31 =	sadd.s32 $0x10, s31;
	s30 =	sadd.s32 $0x3000, s30;
	[sflag:s8] =	ssyncadd.s32 $0xFFFF4000  }
0xe0: {  	s0 =	sld [smem:$0x7F9];
	_ =	sdelay $0x1  }
0xe1: {  	s29 =	sadd.s32 $0x1, s29  }
0xe2: {  	p0 =	sne.s32 s29, s0  }
.Ltmp1:
0xe3: {  	_ = 	snop;
	(pc) =	sbr.rel @p0 .LBB2_1-.Ltmp1, $1  }
0xe4: {  	_ =	sdelay $0x3  }
0xe5: {  	_ =	sfence.sel $0x180000  }
0xe6: {  	[bflag:$0x0] =	sbarrier.arrive $0xFFFF  }
0xe7: {  	_ =	strace $0x9000004D  }
0xe8: {  	s0 =	stileid.u32;
	[bflag:$0x2] =	sbarrier.arrive $0xFFFF  }
0xe9: {  	p0 =	sne.s32 s0, $0x0;
	s0 =	rddreg [dreg:$0x2]  }
0xea: {  	s0 =	sadd.s32 @!p0 $0x100000, s0  }
0xeb: {  	[sflag:s0] =	ssyncadd.tile.s32 @!p0 $0x1;
	_ =	shalt  }
.Lfunc_end2:
_tile_overlayer_lowered:
.L_overlay_start_2:
0xec: {  	(tag) =	ssettag $0x2  }
0xed: {  	s0 =	rddreg [dreg:$0x0];
	s2 =	stileid.u32  }
0xee: {  	s1 =	rddreg [dreg:$0x1];
	p0 =	sne.s32 s2, $0x0  }
0xef: {  	s3 =	rddreg [dreg:$0x2];
	[bflag:$0x3] =	sbarrier.arrive $0xFFFF;
	s2 =	simm.s32 @!p0 $0x1C03  }
0xf0: {  	[timem:s3], [sflag:s2] =	dma.local @!p0 [hbm:s0], s1  }
0xf1: {  	s0 =	simm.s32 @!p0 $0x3  }
0xf2: {  	_ =	swait.ge @!p0 [sflag:s0], s1  }
0xf3: {  	s1 =	ssub.s32 @!p0 $0x0, s1;
	[sflag:s0] =	ssyncset.done @!p0 $0x0  }
0xf4: {  	[sflag:s0] =	ssyncadd.s32 @!p0 s1  }
0xf5: {  	[bflag:$0x3] =	sbarrier.arrive $0xFFFF  }
0xf6: {  	_ =	shalt  }

// kernel: kernel.8.cloned.1.call-start
scs
__scs_entry_jumppad:
0x0: {  	(pc) =	sbr.rel $0x88, $3  }
0x1: {  	(tag) =	ssettag $0x0;
	lr =	simm.s32 $0x1  }
0x2: {  	[smem:$0x3F99] =	sst lr;
	_ =	strace $0xD0000000  }
0x3: {  	_ = 	snop  }
0x4: {  	_ = 	snop  }
0x5: {  	_ = 	snop  }
0x6: {  	_ = 	snop  }
0x7: {  	_ = 	snop  }
__scs_overlays_trampoline_lowered:
0x8: {  	[smem:$0x3FA8] =	sst s0  }
0x9: {  	[smem:$0x3FA9] =	sst s1  }
0xa: {  	[smem:$0x3FAA] =	sst s2  }
0xb: {  	[smem:$0x3FAB] =	sst s3  }
0xc: {  	[smem:$0x3FAC] =	sst s4  }
0xd: {  	[smem:$0x3FAD] =	sst s5  }
0xe: {  	[smem:$0x3FAE] =	sst s6  }
0xf: {  	[smem:$0x3FAF] =	sst s7  }
0x10: {  	[smem:$0x3FB0] =	sst s8  }
0x11: {  	[smem:$0x3FB1] =	sst s9;
	s0 =	simm.s32 @!p0 $0x0  }
0x12: {  	s1 =	sld [smem:$0x3F97];
	s0 =	simm.s32 @p0 $0x1  }
0x13: {  	[smem:$0x3FB2] =	sst s0;
	s0 =	simm.s32 @!p1 $0x0  }
0x14: {  	s2 =	sld [smem:$0x3F96];
	s0 =	simm.s32 @p1 $0x1  }
0x15: {  	[smem:$0x3FB3] =	sst s0;
	s0 =	simm.s32 @!p2 $0x0  }
0x16: {  	s3 =	sld [smem:$0x3FDB];
	s0 =	simm.s32 @p2 $0x1  }
0x17: {  	s4 =	simm.s32 $0x1BF5;
	[smem:$0x3FB5] =	sst s0  }
0x18: {  	s0 =	sld [smem:$0x3F98];
	_ =	swait.ge [sflag:s4], $0x0  }
0x19: {  	s7 =	sld [smem:$0x3F99]  }
0x1a: {  	s8 =	sadd.s32 $0xFFFFE003, lr  }
0x1b: {  	s9 =	sadd.s32 $0xFFFFFEF7, lr;
	s5 =	simm.s32 $0xFFFFFFFF;
	p2 =	slt.u32 s8, $0xFFFFF086  }
0x1c: {  	p1 =	slt.u32 s9, $0xF7A;
	s5 =	simm.s32 @!p2 $0x0  }
0x1d: {  	s5 =	simm.s32 @p1 $0x1;
	p0 =	seq.s32 s7, s2  }
0x1e: {  	s7 =	smul.u32 @!p0 $0xF7A, s2;
	p2 =	seq.s32 @!p0 s5, $0x0  }
0x1f: {  	s9 =	smul.u32 $0xF7A, s1;
	s8 =	simm.s32 @!p0 $0x1BF5;
	p2 =	por !p2, p0  }
0x20: {  	[sflag:s8] =	ssyncset.s32 @!p0 $0xFFFFF086;
	s6 =	sadd.s32 @!p0 s3, s7;
	s7 =	simm.s32 @!p0 $0x108  }
0x21: {  	s3 =	sadd.s32 s3, s9;
	s6 =	sadd.s32 @!p0 $0x88, s6;
	s7 =	simm.s32 @p2 $0x1082  }
0x22: {  	[simem:s7], [sflag:s8] =	dma.local @!p0 [hbm:s6], $0xF7A  }
0x23: {  	s9 =	sor.u32 $0xD0000000, s2;
	s6 =	simm.s32 $0x108;
	_ =	swait.ge @!p0 [sflag:s8], $0x0  }
0x24: {  	s3 =	sadd.s32 $0x88, s3;
	s6 =	simm.s32 @!p1 $0x1082;
	[sflag:s4] =	ssyncset.s32 $0xFFFFF086  }
0x25: {  	[simem:s6], [sflag:s4] =	dma.local [hbm:s3], $0xF7A  }
0x26: {  	[smem:$0x3F99] =	sst s1;
	(tag) =	ssettag s2;
	_ =	strace s9  }
0x27: {  	s1 =	sld [smem:$0x3FA9]  }
0x28: {  	s2 =	sld [smem:$0x3FAA]  }
0x29: {  	s4 =	sld [smem:$0x3FAC]  }
0x2a: {  	p0 =	seq.s32 s5, $0x0;
	s5 =	sld [smem:$0x3FAD]  }
0x2b: {  	s6 =	sld [smem:$0x3FAE]  }
0x2c: {  	s7 =	sld [smem:$0x3FAF]  }
0x2d: {  	s3 =	simm.s32 $0x108;
	s8 =	sld [smem:$0x3FB0]  }
0x2e: {  	s3 =	simm.s32 @!p0 $0x1082;
	s9 =	sld [smem:$0x3FB1]  }
0x2f: {  	lr =	sadd.s32 s0, s3;
	s0 =	sld [smem:$0x3FA8]  }
0x30: {  	s3 =	sld [smem:$0x3FAB]  }
0x31: {  	[smem:$0x3FB4] =	sst s10  }
0x32: {  	s10 =	sld [smem:$0x3FB2];
	_ =	sdelay $0x3  }
0x33: {  	p0 =	seq.s32 s10, $0x1;
	s10 =	sld [smem:$0x3FB4];
	_ =	sdelay $0x3  }
0x34: {  	[smem:$0x3FB4] =	sst s10  }
0x35: {  	s10 =	sld [smem:$0x3FB3];
	_ =	sdelay $0x3  }
0x36: {  	p1 =	seq.s32 s10, $0x1;
	s10 =	sld [smem:$0x3FB4];
	_ =	sdelay $0x3  }
0x37: {  	[smem:$0x3FB4] =	sst s10  }
0x38: {  	s10 =	sld [smem:$0x3FB5]  }
0x39: {  	_ = 	snop;
	(pc) =	sbr.ind lr, $3  }
0x3a: {  	_ = 	snop  }
0x3b: {  	_ = 	snop  }
0x3c: {  	p2 =	seq.s32 s10, $0x1;
	s10 =	sld [smem:$0x3FB4]  }
0x3d: {  	_ =	shalt  }
0x3e: {  	_ =	shalt  }
0x3f: {  	_ =	shalt  }
0x40: {  	_ =	shalt  }
0x41: {  	_ =	shalt  }
0x42: {  	_ =	shalt  }
0x43: {  	_ =	shalt  }
0x44: {  	_ =	shalt  }
0x45: {  	_ =	shalt  }
0x46: {  	_ =	shalt  }
0x47: {  	_ =	shalt  }
0x48: {  	_ =	shalt  }
0x49: {  	_ =	shalt  }
0x4a: {  	_ =	shalt  }
0x4b: {  	_ =	shalt  }
0x4c: {  	_ =	shalt  }
0x4d: {  	_ =	shalt  }
0x4e: {  	_ =	shalt  }
0x4f: {  	_ =	shalt  }
0x50: {  	_ =	shalt  }
0x51: {  	_ =	shalt  }
0x52: {  	_ =	shalt  }
0x53: {  	_ =	shalt  }
0x54: {  	_ =	shalt  }
0x55: {  	_ =	shalt  }
0x56: {  	_ =	shalt  }
0x57: {  	_ =	shalt  }
0x58: {  	_ =	shalt  }
0x59: {  	_ =	shalt  }
0x5a: {  	_ =	shalt  }
0x5b: {  	_ =	shalt  }
0x5c: {  	_ =	shalt  }
0x5d: {  	_ =	shalt  }
0x5e: {  	_ =	shalt  }
0x5f: {  	_ =	shalt  }
0x60: {  	_ =	shalt  }
0x61: {  	_ =	shalt  }
0x62: {  	_ =	shalt  }
0x63: {  	_ =	shalt  }
0x64: {  	_ =	shalt  }
0x65: {  	_ =	shalt  }
0x66: {  	_ =	shalt  }
0x67: {  	_ =	shalt  }
0x68: {  	_ =	shalt  }
0x69: {  	_ =	shalt  }
0x6a: {  	_ =	shalt  }
0x6b: {  	_ =	shalt  }
0x6c: {  	_ =	shalt  }
0x6d: {  	_ =	shalt  }
0x6e: {  	_ =	shalt  }
0x6f: {  	_ =	shalt  }
0x70: {  	_ =	shalt  }
0x71: {  	_ =	shalt  }
0x72: {  	_ =	shalt  }
0x73: {  	_ =	shalt  }
0x74: {  	_ =	shalt  }
0x75: {  	_ =	shalt  }
0x76: {  	_ =	shalt  }
0x77: {  	_ =	shalt  }
0x78: {  	_ =	shalt  }
0x79: {  	_ =	shalt  }
0x7a: {  	_ =	shalt  }
0x7b: {  	_ =	shalt  }
0x7c: {  	_ =	shalt  }
0x7d: {  	_ =	shalt  }
0x7e: {  	_ =	shalt  }
0x7f: {  	_ =	shalt  }
0x80: {  	_ =	shalt  }
0x81: {  	_ =	shalt  }
0x82: {  	_ =	shalt  }
0x83: {  	_ =	shalt  }
0x84: {  	_ =	shalt  }
0x85: {  	_ =	shalt  }
0x86: {  	_ =	shalt  }
0x87: {  	_ =	shalt  }
.Lfunc_end0:
.L_simem_size_0:
called_computation_lowered:
.L_overlay_start_0:
0x88: {  	s2 =	sld [smem:$0x3FD9]  }
0x89: {  	s3 =	sld [smem:$0x3FFE];
	_ =	sdelay $0x1  }
0x8a: {  	s1 =	srdreg.scid  }
0x8b: {  	s0 =	sand.u32 $0x1, s1  }
0x8c: {  	s17 =	sshll.u32 s0, $0xA;
	s2 =	sadd.s32 s3, s2  }
0x8d: {  	s2 =	sadd.s32 s2, s17  }
0x8e: {  	[smem:$0x3FC0] =	sst s2  }
0x8f: {  	_ = 	snop  }
0x90: {  	s2 =	sld [smem:$0x3FC4]  }
0x91: {  	s18 =	sld [smem:$0x3FD0];
	(tm) =	ssettm $0x1  }
0x92: {  	s4 =	sld [smem:$0x3FFB];
	_ =	sdelay $0x3  }
0x93: {  	_ =	strace s4  }
0x94: {  	s4 =	sld [smem:$0x3FFC];
	_ =	sdelay $0x3  }
0x95: {  	_ =	strace s4  }
0x96: {  	s4 =	sld [smem:$0x3FFD];
	_ =	sdelay $0x3  }
0x97: {  	_ =	strace s4  }
0x98: {  	_ =	strace $0x8FFFFFFF  }
0x99: {  	s19 =	sld [smem:$0x3FDB];
	_ =	sdelay $0x1  }
0x9a: {  	s5 =	simm.s32 $_scs_section_size  }
0x9b: {  	s6 =	simm.s32 $_size__tile_overlayer_lowered;
	s7 =	simm.s32 $_tile_overlayer_lowered  }
0x9c: {  	s22 =	simm.s32 $0x1BFF;
	s21 =	sshll.u32 s7, $0x1;
	s4 =	sadd.s32 s5, s19  }
0x9d: {  	s8 =	simm.s32 $0x0;
	s20 =	sshll.u32 s6, $0x1;
	s6 =	sadd.s32 s21, s4  }
0x9e: {  	[timem:s8], [sflag:s22] =	dma.local [hbm:s6], s20  }
0x9f: {  	_ =	swait.ge [sflag:s22], s20  }
0xa0: {  	s5 =	ssub.s32 $0x0, s20;
	[sflag:s22] =	ssyncset.done $0x0  }
0xa1: {  	[sflag:s22] =	ssyncadd.s32 s5;
	_ =	sdelay $0x1  }
0xa2: {  	s23 =	simm.s32 $0x1B8B  }
0xa3: {  	_ =	swait.ge [sflag:s23], $0x1  }
0xa4: {  	[sflag:s23] =	ssyncset.done $0x0  }
0xa5: {  	s25 =	simm.s32 $0x1B8E;
	s24 =	sld [smem:$0x3FFE];
	[sflag:s23] =	ssyncadd.s32 $0xFFFFFFFF  }
0xa6: {  	s26 =	simm.s32 $execute0_lowered;
	[smem:$0x3FD2] =	sst s25  }
0xa7: {  	s6 =	sshll.u32 s26, $0x1;
	_ =	strace $0x80000046;
	[dreg:$0x1] =	wrdreg $0xFFFFFFFF  }
0xa8: {  	s28 =	simm.s32 $_size_execute0_lowered;
	s4 =	sadd.s32 s4, s6;
	[dreg:$0x0] =	wrdreg $0x0  }
0xa9: {  	s6 =	sshll.u32 s28, $0x1;
	[dreg:$0x2] =	wrdreg s4  }
0xaa: {  	[dreg:$0x3] =	wrdreg s6  }
0xab: {  	[dreg:$0x4] =	wrdreg $0xC0  }
0xac: {  	_ =	task [dreg:s8], $0x5FFFF  }
0xad: {  	[dreg:$0x1] =	wrdreg $0xFFFFFFFF  }
0xae: {  	[dreg:$0x0] =	wrdreg $0x60  }
0xaf: {  	[dreg:$0x2] =	wrdreg s2  }
0xb0: {  	[dreg:$0x3] =	wrdreg s24  }
0xb1: {  	[dreg:$0x4] =	wrdreg s18  }
0xb2: {  	[dreg:$0x5] =	wrdreg $0x9  }
0xb3: {  	_ =	task.clear_ibuf [dreg:s8], $0x6FFFF;
	_ =	strace $0x90000046  }
0xb4: {  	s29 =	simm.s32 $0x9;
	_ =	strace $0x80000048  }
0xb5: {  	_ =	swait.ge [sflag:s29], $0x1  }
0xb6: {  	[sflag:s29] =	ssyncadd.s32 $0xFFFFFFFF  }
0xb7: {  	_ =	strace $0x90000048  }
0xb8: {  	_ =	sfence  }
0xb9: {  	s30 =	sld [smem:$0x0];
	_ =	sdelay $0x2  }
0xba: {  	s31 =	sshll.u32 s1, $0xD;
	s1 =	sshrl.u32 s1, $0x2  }
0xbb: {  	s3 =	sand.u32 $0x4000, s31;
	s1 =	sadd.s32 s1, s30  }
0xbc: {  	s0 =	sor.u32 s3, s0;
	s1 =	sshll.u32 s1, $0x11  }
0xbd: {  	s0 =	sor.u32 s1, s0  }
0xbe: {  	s0 =	sadd.s32 $0x8F2B, s0  }
0xbf: {  	[sflag:s0] =	ssyncadd.remote.s32 $0x1  }
0xc0: {  	_ =	sfence.sel $0xFFFF  }
0xc1: {  	[dreg:$0x0] =	wrdreg $0xFFFFFFFF;
	(pc) =	sbr.abs _section_cstart, $3  }
0xc2: {  	[dreg:$0x1] =	wrdreg $0xFFFFFFFF  }
0xc3: {  	_ =	task.clear_ibuf [dreg:s8], $0x2FFFF;
	_ =	strace $0x9FFFFFFF  }
0xc4: {  	(tm) =	ssettm $0x7FFFFFFF  }
0xc5: {  	_ =	shalt  }
tec
execute0_lowered:
.L_overlay_start_1:
0x0: {  	(tag) =	ssettag $0x1  }
0x1: {  	s1 =	rddreg [dreg:$0x0]  }
0x2: {  	s0 =	rddreg [dreg:$0x1]  }
0x3: {  	s2 =	rddreg [dreg:$0x2];
	s3 =	simm.s32 $0x0;
	s4 =	srdreg.scid  }
0x4: {  	s7 =	stileid.u32;
	s10 =	simm.s32 $0x3;
	s11 =	simm.s32 $0x100  }
0x5: {  	s21 =	simm.s32 $0x900;
	s14 =	simm.s32 $0xC100;
	s17 =	simm.s32 $0x1  }
0x6: {  	s18 =	simm.s32 $0x2;
	s16 =	simm.s32 $0x10900;
	s22 =	simm.s32 $0x11100  }
0x7: {  	s23 =	simm.s32 $0x11900;
	s24 =	simm.s32 $0x12100;
	s28 =	simm.s32 $0x13900  }
0x8: {  	s29 =	simm.s32 $0x14100;
	s30 =	simm.s32 $0x14900;
	s31 =	simm.s32 $0x15100  }
0x9: {  	s9 =	simm.s32 $0x16900;
	s12 =	simm.s32 $0x17100;
	s13 =	simm.s32 $0x17900  }
0xa: {  	[smem:$0x7FF] =	sst s3;
	s4 =	sand.u32 $0x1, s4;
	s5 =	sadd.s32 $0x1800, s0  }
0xb: {  	s26 =	sshll.u32 s7, $0x6;
	s7 =	sadd.s32 $0x100, s1;
	s6 =	ssub.s32 $0x2, s4  }
0xc: {  	s8 =	sadd.s32 $0x200, s1;
	s4 =	sshll.u32 s4, $0x5;
	s25 =	sshrl.u32 s6, $0x1  }
0xd: {  	v2 =	vlaneseq.u32;
	_ =	strace $0x80000047;
	s0 =	ssub.s32 s6, s25;
	s6 =	sor.u32 s4, s26  }
0xe: {  	vm0 =	vmmov $0xffff;
	v1 =	vshrl.u32 v2, $0x3;
	s25 =	simm.s32 $0x12900;
	s26 =	simm.s32 $0x13100;
	s0 =	smax.u32 s0, $0x1  }
0xf: {  	v0 =	vand.u32 $0x7, v2;
	v2 =	vor.u32 $0x8, v2;
	v1 =	vmul.u32 $0x8, v1;
	s4 =	simm.s32 $0x16100;
	[dreg:$0x4] =	wrdreg s0;
	s0 =	simm.s32 $0x0  }
.LBB2_1:
0x10: {  	[dreg:$0x5] =	wrdreg s0  }
0x11: {  	p0 =	por $0x1, $0x1;
	s19 =	simm.s32 $0x0;
	s0 =	simm.s32 $0x15900  }
.LBB2_2:
0x12: {  	s19 =	sor.u32 s6, s19  }
0x13: {  	s20 =	sadd.s32 s5, s19  }
0x14: {  	[tilespmem:s3], [sflag:$0x3] =	stream.linear.gather [hbm4b:s20+s3], $0x40, $0x38;
	[tilespmem:$0x18100] =	vst v63  }
0x15: {  	_ =	swait.ge [sflag:s10], $0x40  }
0x16: {  	[sflag:s10] =	ssyncset.done $0x0  }
0x17: {  	[sflag:s10] =	ssyncadd.s32 $0xFFFFFFC0  }
0x18: {  	v3 =	vld [tilespmem:$0x0];
	_ =	sdelay $0x4  }
0x19: {  	v4 =	vshrl.u32 v3, $0x3  }
0x1a: {  	v4 =	vmul.u32 $0x30, v4  }
0x1b: {  	v3 =	vand.u32 $0x7, v3  }
0x1c: {  	v3 =	vor.u32 v3, v4  }
0x1d: {  	v4 =	vperm.xlane v3, v0;
	_ =	sdelay $0x1  }
0x1e: {  	v4 =	vadd.s32 v1, v4;
	_ =	sdelay $0x3  }
0x1f: {  	v3 =	vperm.xlane v3, v2  }
0x20: {  	[tilespmem:s11], [sflag:$0x1] =	stream.indirect_vreg.gather [hbm4b:s1+s3], $0x80, v4, vm0, $0xb8;
	[tilespmem:$0x18100] =	vst v63  }
0x21: {  	v3 =	vadd.s32 v1, v3  }
0x22: {  	[tilespmem:s21], [sflag:$0x1] =	stream.indirect_vreg.gather [hbm4b:s7+s3], $0x80, v4, vm0, $0xb8;
	[tilespmem:$0x18100] =	vst v63  }
0x23: {  	s21 =	simm.s32 $0x1100  }
0x24: {  	[tilespmem:s21], [sflag:$0x1] =	stream.indirect_vreg.gather [hbm4b:s8+s3], $0x80, v4, vm0, $0xb8;
	[tilespmem:$0x18100] =	vst v63  }
0x25: {  	s15 =	simm.s32 $0x1900  }
0x26: {  	[tilespmem:s15], [sflag:$0x1] =	stream.indirect_vreg.gather [hbm4b:s1+s3], $0x80, v3, vm0, $0xb8;
	[tilespmem:$0x18100] =	vst v63  }
0x27: {  	s21 =	simm.s32 $0x2100  }
0x28: {  	[tilespmem:s21], [sflag:$0x1] =	stream.indirect_vreg.gather [hbm4b:s7+s3], $0x80, v3, vm0, $0xb8;
	[tilespmem:$0x18100] =	vst v63  }
0x29: {  	s15 =	simm.s32 $0x2900  }
0x2a: {  	[tilespmem:s15], [sflag:$0x1] =	stream.indirect_vreg.gather [hbm4b:s8+s3], $0x80, v3, vm0, $0xb8;
	[tilespmem:$0x18100] =	vst v63  }
0x2b: {  	v3 =	vld [tilespmem:$0x10];
	_ =	sdelay $0x4  }
0x2c: {  	v57 =	vshrl.u32 v3, $0x3  }
0x2d: {  	v4 =	vmul.u32 $0x30, v57  }
0x2e: {  	v3 =	vand.u32 $0x7, v3  }
0x2f: {  	v3 =	vor.u32 v3, v4  }
0x30: {  	v4 =	vperm.xlane v3, v0;
	_ =	sdelay $0x1  }
0x31: {  	v4 =	vadd.s32 v1, v4;
	_ =	sdelay $0x3  }
0x32: {  	s21 =	simm.s32 $0x3100;
	v3 =	vperm.xlane v3, v2  }
0x33: {  	[tilespmem:s21], [sflag:$0x1] =	stream.indirect_vreg.gather [hbm4b:s1+s3], $0x80, v4, vm0, $0xb8;
	[tilespmem:$0x18100] =	vst v63  }
0x34: {  	s15 =	simm.s32 $0x3900;
	v3 =	vadd.s32 v1, v3  }
0x35: {  	[tilespmem:s15], [sflag:$0x1] =	stream.indirect_vreg.gather [hbm4b:s7+s3], $0x80, v4, vm0, $0xb8;
	[tilespmem:$0x18100] =	vst v63  }
0x36: {  	s21 =	simm.s32 $0x4100  }
0x37: {  	[tilespmem:s21], [sflag:$0x1] =	stream.indirect_vreg.gather [hbm4b:s8+s3], $0x80, v4, vm0, $0xb8;
	[tilespmem:$0x18100] =	vst v63  }
0x38: {  	s15 =	simm.s32 $0x4900  }
0x39: {  	[tilespmem:s15], [sflag:$0x1] =	stream.indirect_vreg.gather [hbm4b:s1+s3], $0x80, v3, vm0, $0xb8;
	[tilespmem:$0x18100] =	vst v63  }
0x3a: {  	s21 =	simm.s32 $0x5100  }
0x3b: {  	[tilespmem:s21], [sflag:$0x1] =	stream.indirect_vreg.gather [hbm4b:s7+s3], $0x80, v3, vm0, $0xb8;
	[tilespmem:$0x18100] =	vst v63  }
0x3c: {  	s15 =	simm.s32 $0x5900  }
0x3d: {  	[tilespmem:s15], [sflag:$0x1] =	stream.indirect_vreg.gather [hbm4b:s8+s3], $0x80, v3, vm0, $0xb8;
	[tilespmem:$0x18100] =	vst v63  }
0x3e: {  	v3 =	vld [tilespmem:$0x20];
	_ =	sdelay $0x4  }
0x3f: {  	v58 =	vshrl.u32 v3, $0x3  }
0x40: {  	v4 =	vmul.u32 $0x30, v58  }
0x41: {  	v3 =	vand.u32 $0x7, v3  }
0x42: {  	v3 =	vor.u32 v3, v4  }
0x43: {  	v4 =	vperm.xlane v3, v0;
	_ =	sdelay $0x1  }
0x44: {  	v4 =	vadd.s32 v1, v4;
	_ =	sdelay $0x3  }
0x45: {  	s21 =	simm.s32 $0x6100;
	v3 =	vperm.xlane v3, v2  }
0x46: {  	[tilespmem:s21], [sflag:$0x1] =	stream.indirect_vreg.gather [hbm4b:s1+s3], $0x80, v4, vm0, $0xb8;
	[tilespmem:$0x18100] =	vst v63  }
0x47: {  	s15 =	simm.s32 $0x6900;
	v3 =	vadd.s32 v1, v3  }
0x48: {  	[tilespmem:s15], [sflag:$0x1] =	stream.indirect_vreg.gather [hbm4b:s7+s3], $0x80, v4, vm0, $0xb8;
	[tilespmem:$0x18100] =	vst v63  }
0x49: {  	s21 =	simm.s32 $0x7100  }
0x4a: {  	[tilespmem:s21], [sflag:$0x1] =	stream.indirect_vreg.gather [hbm4b:s8+s3], $0x80, v4, vm0, $0xb8;
	[tilespmem:$0x18100] =	vst v63  }
0x4b: {  	s15 =	simm.s32 $0x7900  }
0x4c: {  	[tilespmem:s15], [sflag:$0x1] =	stream.indirect_vreg.gather [hbm4b:s1+s3], $0x80, v3, vm0, $0xb8;
	[tilespmem:$0x18100] =	vst v63  }
0x4d: {  	s21 =	simm.s32 $0x8100  }
0x4e: {  	[tilespmem:s21], [sflag:$0x1] =	stream.indirect_vreg.gather [hbm4b:s7+s3], $0x80, v3, vm0, $0xb8;
	[tilespmem:$0x18100] =	vst v63  }
0x4f: {  	s15 =	simm.s32 $0x8900  }
0x50: {  	[tilespmem:s15], [sflag:$0x1] =	stream.indirect_vreg.gather [hbm4b:s8+s3], $0x80, v3, vm0, $0xb8;
	[tilespmem:$0x18100] =	vst v63  }
0x51: {  	v3 =	vld [tilespmem:$0x30];
	_ =	sdelay $0x4  }
0x52: {  	v59 =	vshrl.u32 v3, $0x3  }
0x53: {  	v4 =	vmul.u32 $0x30, v59  }
0x54: {  	v3 =	vand.u32 $0x7, v3  }
0x55: {  	v3 =	vor.u32 v3, v4  }
0x56: {  	v4 =	vperm.xlane v3, v0;
	_ =	sdelay $0x1  }
0x57: {  	v4 =	vadd.s32 v1, v4;
	_ =	sdelay $0x3  }
0x58: {  	s21 =	simm.s32 $0x9100;
	v3 =	vperm.xlane v3, v2  }
0x59: {  	[tilespmem:s21], [sflag:$0x1] =	stream.indirect_vreg.gather [hbm4b:s1+s3], $0x80, v4, vm0, $0xb8;
	[tilespmem:$0x18100] =	vst v63  }
0x5a: {  	s15 =	simm.s32 $0x9900;
	v3 =	vadd.s32 v1, v3  }
0x5b: {  	[tilespmem:s15], [sflag:$0x1] =	stream.indirect_vreg.gather [hbm4b:s7+s3], $0x80, v4, vm0, $0xb8;
	[tilespmem:$0x18100] =	vst v63  }
0x5c: {  	s21 =	simm.s32 $0xA100  }
0x5d: {  	[tilespmem:s21], [sflag:$0x1] =	stream.indirect_vreg.gather [hbm4b:s8+s3], $0x80, v4, vm0, $0xb8;
	[tilespmem:$0x18100] =	vst v63  }
0x5e: {  	s15 =	simm.s32 $0xA900  }
0x5f: {  	[tilespmem:s15], [sflag:$0x1] =	stream.indirect_vreg.gather [hbm4b:s1+s3], $0x80, v3, vm0, $0xb8;
	[tilespmem:$0x18100] =	vst v63  }
0x60: {  	s21 =	simm.s32 $0xB100  }
0x61: {  	[tilespmem:s21], [sflag:$0x1] =	stream.indirect_vreg.gather [hbm4b:s7+s3], $0x80, v3, vm0, $0xb8;
	[tilespmem:$0x18100] =	vst v63  }
0x62: {  	s20 =	sor.u32 $0x8, s19;
	s15 =	simm.s32 $0xB900  }
0x63: {  	[tilespmem:s15], [sflag:$0x1] =	stream.indirect_vreg.gather [hbm4b:s8+s3], $0x80, v3, vm0, $0xb8;
	[tilespmem:$0x18100] =	vst v63  }
0x64: {  	s21 =	sadd.s32 s5, s20;
	s15 =	simm.s32 $0x80  }
0x65: {  	[tilespmem:s15], [sflag:$0x3] =	stream.linear.gather [hbm4b:s21+s3], $0x40, $0x38;
	[tilespmem:$0x18100] =	vst v63  }
0x66: {  	_ =	swait.ge [sflag:s10], $0x40  }
0x67: {  	[sflag:s10] =	ssyncset.done $0x0  }
0x68: {  	[sflag:s10] =	ssyncadd.s32 $0xFFFFFFC0  }
0x69: {  	v3 =	vld [tilespmem:$0x80];
	_ =	sdelay $0x4  }
0x6a: {  	v60 =	vshrl.u32 v3, $0x3  }
0x6b: {  	v4 =	vmul.u32 $0x30, v60  }
0x6c: {  	v3 =	vand.u32 $0x7, v3  }
0x6d: {  	v3 =	vor.u32 v3, v4  }
0x6e: {  	v4 =	vperm.xlane v3, v0;
	_ =	sdelay $0x1  }
0x6f: {  	v4 =	vadd.s32 v1, v4;
	_ =	sdelay $0x3  }
0x70: {  	v3 =	vperm.xlane v3, v2  }
0x71: {  	[tilespmem:s14], [sflag:$0x2] =	stream.indirect_vreg.gather [hbm4b:s1+s3], $0x80, v4, vm0, $0xb8;
	[tilespmem:$0x18100] =	vst v63  }
0x72: {  	s15 =	simm.s32 $0xC900;
	v3 =	vadd.s32 v1, v3  }
0x73: {  	[tilespmem:s15], [sflag:$0x2] =	stream.indirect_vreg.gather [hbm4b:s7+s3], $0x80, v4, vm0, $0xb8;
	[tilespmem:$0x18100] =	vst v63  }
0x74: {  	s15 =	simm.s32 $0xD100  }
0x75: {  	[tilespmem:s15], [sflag:$0x2] =	stream.indirect_vreg.gather [hbm4b:s8+s3], $0x80, v4, vm0, $0xb8;
	[tilespmem:$0x18100] =	vst v63  }
0x76: {  	s15 =	simm.s32 $0xD900  }
0x77: {  	[tilespmem:s15], [sflag:$0x2] =	stream.indirect_vreg.gather [hbm4b:s1+s3], $0x80, v3, vm0, $0xb8;
	[tilespmem:$0x18100] =	vst v63  }
0x78: {  	s15 =	simm.s32 $0xE100  }
0x79: {  	[tilespmem:s15], [sflag:$0x2] =	stream.indirect_vreg.gather [hbm4b:s7+s3], $0x80, v3, vm0, $0xb8;
	[tilespmem:$0x18100] =	vst v63  }
0x7a: {  	s15 =	simm.s32 $0xE900  }
0x7b: {  	[tilespmem:s15], [sflag:$0x2] =	stream.indirect_vreg.gather [hbm4b:s8+s3], $0x80, v3, vm0, $0xb8;
	[tilespmem:$0x18100] =	vst v63  }
0x7c: {  	v3 =	vld [tilespmem:$0x90];
	_ =	sdelay $0x4  }
0x7d: {  	v61 =	vshrl.u32 v3, $0x3  }
0x7e: {  	v4 =	vmul.u32 $0x30, v61  }
0x7f: {  	v3 =	vand.u32 $0x7, v3  }
0x80: {  	v3 =	vor.u32 v3, v4  }
0x81: {  	v4 =	vperm.xlane v3, v0;
	_ =	sdelay $0x1  }
0x82: {  	v4 =	vadd.s32 v1, v4;
	_ =	sdelay $0x3  }
0x83: {  	s15 =	simm.s32 $0xF100;
	v3 =	vperm.xlane v3, v2  }
0x84: {  	[tilespmem:s15], [sflag:$0x2] =	stream.indirect_vreg.gather [hbm4b:s1+s3], $0x80, v4, vm0, $0xb8;
	[tilespmem:$0x18100] =	vst v63  }
0x85: {  	v3 =	vadd.s32 v1, v3;
	s15 =	simm.s32 $0xF900  }
0x86: {  	[tilespmem:s15], [sflag:$0x2] =	stream.indirect_vreg.gather [hbm4b:s7+s3], $0x80, v4, vm0, $0xb8;
	[tilespmem:$0x18100] =	vst v63  }
0x87: {  	s15 =	simm.s32 $0x10100  }
0x88: {  	[tilespmem:s15], [sflag:$0x2] =	stream.indirect_vreg.gather [hbm4b:s8+s3], $0x80, v4, vm0, $0xb8;
	[tilespmem:$0x18100] =	vst v63  }
0x89: {  	_ = 	snop  }
0x8a: {  	[tilespmem:s16], [sflag:$0x2] =	stream.indirect_vreg.gather [hbm4b:s1+s3], $0x80, v3, vm0, $0xb8;
	[tilespmem:$0x18100] =	vst v63  }
0x8b: {  	_ = 	snop  }
0x8c: {  	[tilespmem:s22], [sflag:$0x2] =	stream.indirect_vreg.gather [hbm4b:s7+s3], $0x80, v3, vm0, $0xb8;
	[tilespmem:$0x18100] =	vst v63  }
0x8d: {  	_ = 	snop  }
0x8e: {  	[tilespmem:s23], [sflag:$0x2] =	stream.indirect_vreg.gather [hbm4b:s8+s3], $0x80, v3, vm0, $0xb8;
	[tilespmem:$0x18100] =	vst v63  }
0x8f: {  	v3 =	vld [tilespmem:$0xA0];
	_ =	sdelay $0x4  }
0x90: {  	v62 =	vshrl.u32 v3, $0x3  }
0x91: {  	v4 =	vmul.u32 $0x30, v62  }
0x92: {  	v3 =	vand.u32 $0x7, v3  }
0x93: {  	v3 =	vor.u32 v3, v4  }
0x94: {  	v4 =	vperm.xlane v3, v0;
	_ =	sdelay $0x1  }
0x95: {  	v4 =	vadd.s32 v1, v4;
	_ =	sdelay $0x3  }
0x96: {  	v3 =	vperm.xlane v3, v2  }
0x97: {  	[tilespmem:s24], [sflag:$0x2] =	stream.indirect_vreg.gather [hbm4b:s1+s3], $0x80, v4, vm0, $0xb8;
	[tilespmem:$0x18100] =	vst v63  }
0x98: {  	v3 =	vadd.s32 v1, v3  }
0x99: {  	[tilespmem:s25], [sflag:$0x2] =	stream.indirect_vreg.gather [hbm4b:s7+s3], $0x80, v4, vm0, $0xb8;
	[tilespmem:$0x18100] =	vst v63  }
0x9a: {  	_ = 	snop  }
0x9b: {  	[tilespmem:s26], [sflag:$0x2] =	stream.indirect_vreg.gather [hbm4b:s8+s3], $0x80, v4, vm0, $0xb8;
	[tilespmem:$0x18100] =	vst v63  }
0x9c: {  	_ = 	snop  }
0x9d: {  	[tilespmem:s28], [sflag:$0x2] =	stream.indirect_vreg.gather [hbm4b:s1+s3], $0x80, v3, vm0, $0xb8;
	[tilespmem:$0x18100] =	vst v63  }
0x9e: {  	_ = 	snop  }
0x9f: {  	[tilespmem:s29], [sflag:$0x2] =	stream.indirect_vreg.gather [hbm4b:s7+s3], $0x80, v3, vm0, $0xb8;
	[tilespmem:$0x18100] =	vst v63  }
0xa0: {  	_ = 	snop  }
0xa1: {  	[tilespmem:s30], [sflag:$0x2] =	stream.indirect_vreg.gather [hbm4b:s8+s3], $0x80, v3, vm0, $0xb8;
	[tilespmem:$0x18100] =	vst v63  }
0xa2: {  	v3 =	vld [tilespmem:$0xB0];
	_ =	sdelay $0x4  }
0xa3: {  	v63 =	vshrl.u32 v3, $0x3  }
0xa4: {  	v4 =	vmul.u32 $0x30, v63  }
0xa5: {  	v3 =	vand.u32 $0x7, v3  }
0xa6: {  	v3 =	vor.u32 v3, v4  }
0xa7: {  	v4 =	vperm.xlane v3, v0;
	_ =	sdelay $0x1  }
0xa8: {  	v4 =	vadd.s32 v1, v4;
	_ =	sdelay $0x3  }
0xa9: {  	v3 =	vperm.xlane v3, v2  }
0xaa: {  	[tilespmem:s31], [sflag:$0x2] =	stream.indirect_vreg.gather [hbm4b:s1+s3], $0x80, v4, vm0, $0xb8;
	[tilespmem:$0x18100] =	vst v63  }
0xab: {  	v3 =	vadd.s32 v1, v3  }
0xac: {  	[tilespmem:s0], [sflag:$0x2] =	stream.indirect_vreg.gather [hbm4b:s7+s3], $0x80, v4, vm0, $0xb8;
	[tilespmem:$0x18100] =	vst v63  }
0xad: {  	_ = 	snop  }
0xae: {  	[tilespmem:s4], [sflag:$0x2] =	stream.indirect_vreg.gather [hbm4b:s8+s3], $0x80, v4, vm0, $0xb8;
	[tilespmem:$0x18100] =	vst v63  }
0xaf: {  	_ = 	snop  }
0xb0: {  	[tilespmem:s9], [sflag:$0x2] =	stream.indirect_vreg.gather [hbm4b:s1+s3], $0x80, v3, vm0, $0xb8;
	[tilespmem:$0x18100] =	vst v63  }
0xb1: {  	_ = 	snop  }
0xb2: {  	[tilespmem:s12], [sflag:$0x2] =	stream.indirect_vreg.gather [hbm4b:s7+s3], $0x80, v3, vm0, $0xb8;
	[tilespmem:$0x18100] =	vst v63  }
0xb3: {  	_ = 	snop  }
0xb4: {  	[tilespmem:s13], [sflag:$0x2] =	stream.indirect_vreg.gather [hbm4b:s8+s3], $0x80, v3, vm0, $0xb8;
	[tilespmem:$0x18100] =	vst v63  }
0xb5: {  	s19 =	smul.u32 $0x300, s19;
	_ =	swait.ge [sflag:s17], $0xC000  }
0xb6: {  	[sflag:s17] =	ssyncset.done $0x0  }
0xb7: {  	s19 =	sadd.s32 s2, s19;
	[sflag:s17] =	ssyncadd.s32 $0xFFFF4000  }
0xb8: {  	[hbm4b:s19+s3] =	stream.linear.scatter [tilespmem:s11], [sflag:$0x3], $0xC000, $0x38;
	[tilespmem:$0x18100] =	vst v63  }
0xb9: {  	_ =	swait.ge [sflag:s10], $0xC000  }
0xba: {  	[sflag:s10] =	ssyncset.done $0x0  }
0xbb: {  	[sflag:s10] =	ssyncadd.s32 $0xFFFF4000  }
0xbc: {  	s20 =	smul.u32 $0x300, s20;
	_ =	swait.ge [sflag:s18], $0xC000  }
0xbd: {  	p1 =	por p0, p0;
	[sflag:s18] =	ssyncset.done $0x0  }
.Ltmp0:
0xbe: {  	s19 =	sadd.s32 s2, s20;
	[sflag:s18] =	ssyncadd.s32 $0xFFFF4000;
	(pc) =	sbr.rel @p1 .LBB2_2-.Ltmp0, $4  }
0xbf: {  	[hbm4b:s19+s3] =	stream.linear.scatter [tilespmem:s14], [sflag:$0x3], $0xC000, $0x38;
	[tilespmem:$0x18100] =	vst v63  }
0xc0: {  	_ =	swait.ge [sflag:s10], $0xC000  }
0xc1: {  	p0 =	por $0x0, $0x0;
	[sflag:s10] =	ssyncset.done $0x0  }
0xc2: {  	s21 =	simm.s32 $0x900;
	s19 =	simm.s32 $0x10;
	[sflag:s10] =	ssyncadd.s32 $0xFFFF4000  }
0xc3: {  	s0 =	rddreg [dreg:$0x5]  }
0xc4: {  	s19 =	rddreg [dreg:$0x4];
	s0 =	sadd.s32 $0x1, s0  }
0xc5: {  	p0 =	sne.s32 s0, s19  }
.Ltmp1:
0xc6: {  	_ = 	snop;
	(pc) =	sbr.rel @p0 .LBB2_1-.Ltmp1, $1  }
0xc7: {  	_ =	sdelay $0x3  }
0xc8: {  	_ =	sfence.sel $0x180000  }
0xc9: {  	[bflag:$0x0] =	sbarrier.arrive $0xFFFF  }
0xca: {  	_ =	strace $0x90000047  }
0xcb: {  	s0 =	stileid.u32;
	[bflag:$0x2] =	sbarrier.arrive $0xFFFF  }
0xcc: {  	p0 =	sne.s32 s0, $0x0;
	s0 =	rddreg [dreg:$0x3]  }
0xcd: {  	s0 =	sadd.s32 @!p0 $0x100000, s0  }
0xce: {  	[sflag:s0] =	ssyncadd.tile.s32 @!p0 $0x1;
	_ =	shalt  }
.Lfunc_end2:
_tile_overlayer_lowered:
.L_overlay_start_2:
0xcf: {  	(tag) =	ssettag $0x2  }
0xd0: {  	s0 =	rddreg [dreg:$0x0];
	s2 =	stileid.u32  }
0xd1: {  	s1 =	rddreg [dreg:$0x1];
	p0 =	sne.s32 s2, $0x0  }
0xd2: {  	s3 =	rddreg [dreg:$0x2];
	[bflag:$0x3] =	sbarrier.arrive $0xFFFF;
	s2 =	simm.s32 @!p0 $0x1C03  }
0xd3: {  	[timem:s3], [sflag:s2] =	dma.local @!p0 [hbm:s0], s1  }
0xd4: {  	s0 =	simm.s32 @!p0 $0x3  }
0xd5: {  	_ =	swait.ge @!p0 [sflag:s0], s1  }
0xd6: {  	s1 =	ssub.s32 @!p0 $0x0, s1;
	[sflag:s0] =	ssyncset.done @!p0 $0x0  }
0xd7: {  	[sflag:s0] =	ssyncadd.s32 @!p0 s1  }
0xd8: {  	[bflag:$0x3] =	sbarrier.arrive $0xFFFF  }
0xd9: {  	_ =	shalt  }

</sc_bundles>
